<compile_context>
chip_gen: v7x
topology: tpu7x:2x2x1
jax: 0.10.2.dev20260603
libtpu: 0.0.44.dev20260713+nightly
codegen_flags: <defaults>
</compile_context>

<pallas_src>
import functools

import jax
import jax.numpy as jnp
from jax import lax
from jax.experimental import pallas as pl
from jax.experimental.pallas import tpu as pltpu
from jax.experimental.pallas import tpu_sc as plsc

N = 10000
E = 320000
D = 128
G = 64
EPS = 1e-5

NC = 2
NS = 16
NW = NC * NS
EPT = E // NW
K = 80
NWIN = EPT // K
KW = 96
NWS = EPT // KW
TAIL = EPT - NWS * KW
NP = 10240
RPT = NP // NS

NBLK = 25
BR = N // NBLK

_mesh = plsc.VectorSubcoreMesh(core_axis_name="c", subcore_axis_name="s")


def _scat_body(hs_hbm, row_hbm, col_hbm, ea_hbm, zero_hbm, out_hbm,
               ridx_v, cidx_v, ea_v, rows_v, s1, s2, s3, gsem, acc_s):
    cid = lax.axis_index("c")
    sid = lax.axis_index("s")
    wid = sid * NC + cid

    pltpu.sync_copy(zero_hbm.at[pl.ds(sid * RPT, RPT)],
                    acc_s.at[pl.ds(sid * RPT, RPT)])
    plsc.subcore_barrier()

    def body(w, carry):
        base = wid * EPT + w * K
        d1 = pltpu.async_copy(row_hbm.at[pl.ds(base, K)], ridx_v, s1)
        d1.wait()
        d2 = pltpu.async_copy(col_hbm.at[pl.ds(base, K)], cidx_v, s2)
        d2.wait()
        d3 = pltpu.async_copy(ea_hbm.at[pl.ds(base, K)], ea_v, s3)
        d3.wait()
        dg = pltpu.async_copy(hs_hbm.at[ridx_v], rows_v, gsem)
        dg.wait()

        def sbody(j, c2):
            sc_ = plsc.load_gather(ea_v, [jnp.zeros((16,), jnp.int32) + j])
            for v in range(D // 16):
                sl = pl.ds(v * 16, 16)
                rows_v[j, sl] = rows_v[j, sl] * sc_
            return c2

        lax.fori_loop(0, K, sbody, 0)
        pltpu.sync_copy(rows_v, acc_s.at[cidx_v], add=True)
        return carry

    lax.fori_loop(0, NWIN, body, 0)
    plsc.subcore_barrier()
    pltpu.sync_copy(acc_s.at[pl.ds(sid * RPT, RPT)],
                    out_hbm.at[cid, pl.ds(sid * RPT, RPT)])


_scat_call = functools.partial(
    pl.kernel,
    out_type=jax.ShapeDtypeStruct((NC, NP, D), jnp.float32),
    mesh=_mesh,
    scratch_types=[
        pltpu.VMEM((K,), jnp.int32),
        pltpu.VMEM((K,), jnp.int32),
        pltpu.VMEM((K,), jnp.float32),
        pltpu.VMEM((K, D), jnp.float32),
        pltpu.SemaphoreType.DMA,
        pltpu.SemaphoreType.DMA,
        pltpu.SemaphoreType.DMA,
        pltpu.SemaphoreType.DMA,
        pltpu.VMEM_SHARED((NP, D), jnp.float32),
    ],
    compiler_params=pltpu.CompilerParams(needs_layout_passes=False),
)(_scat_body)


def _pre_body(x_ref, w1_ref, b1_ref, g1_ref, be1_ref, m1_ref, v1_ref,
              w2_ref, b2_ref, hist_ref, hs_ref):
    h = jnp.dot(x_ref[...], w1_ref[...], preferred_element_type=jnp.float32)
    h = h + b1_ref[...]
    s1 = g1_ref[...] * lax.rsqrt(v1_ref[...] + EPS)
    h = (h - m1_ref[...]) * s1 + be1_ref[...]
    h = jnp.maximum(h, 0.0)
    h = jnp.dot(h, w2_ref[...], preferred_element_type=jnp.float32)
    h = h + b2_ref[...]
    deg = hist_ref[...][:, 0] + hist_ref[...][:, 1] + 1.0
    dinv = 1.0 / jnp.sqrt(deg)
    hs_ref[...] = h * dinv[:, None]


def _pre_call(x, w1, b1, g1, be1, m1, v1, w2, b2, hist_t):
    vec = pl.BlockSpec((1, D), lambda i: (0, 0))
    return pl.pallas_call(
        _pre_body,
        grid=(NBLK,),
        in_specs=[
            pl.BlockSpec((BR, D), lambda i: (i, 0)),
            pl.BlockSpec((D, D), lambda i: (0, 0)),
            vec, vec, vec, vec, vec,
            pl.BlockSpec((D, D), lambda i: (0, 0)),
            vec,
            pl.BlockSpec((BR, 2), lambda i: (i, 0)),
        ],
        out_specs=pl.BlockSpec((BR, D), lambda i: (i, 0)),
        out_shape=jax.ShapeDtypeStruct((N, D), jnp.float32),
    )(x, w1, b1, g1, be1, m1, v1, w2, b2, hist_t)


def _post_body(p0_ref, p1_ref, hs_ref, hist_ref, batch_ref,
               w3_ref, b3_ref, g2_ref, be2_ref, m2_ref, v2_ref,
               w4_ref, b4_ref, z_ref, pooled_acc, cnt_acc):
    i = pl.program_id(0)

    @pl.when(i == 0)
    def _():
        pooled_acc[...] = jnp.zeros((G, D), jnp.float32)
        cnt_acc[...] = jnp.zeros((G, D), jnp.float32)

    deg = hist_ref[...][:, 0] + hist_ref[...][:, 1] + 1.0
    dinv = 1.0 / jnp.sqrt(deg)
    inner = p0_ref[...] + p1_ref[...] + hs_ref[...]
    agg = jnp.maximum(inner * dinv[:, None], 0.0)

    b = batch_ref[...]
    p = (b == lax.broadcasted_iota(jnp.int32, (BR, G), 1)).astype(jnp.float32)
    dn = (((0,), (0,)), ((), ()))
    pooled_acc[...] += lax.dot_general(p, agg, dimension_numbers=dn,
                                       preferred_element_type=jnp.float32)
    cnt_acc[...] += lax.dot_general(p, jnp.ones((BR, D), jnp.float32),
                                    dimension_numbers=dn,
                                    preferred_element_type=jnp.float32)

    @pl.when(i == NBLK - 1)
    def _():
        pooled = pooled_acc[...] / jnp.maximum(cnt_acc[...], 1.0)
        z = jnp.dot(pooled, w3_ref[...], preferred_element_type=jnp.float32)
        z = z + b3_ref[...]
        s2 = g2_ref[...] * lax.rsqrt(v2_ref[...] + EPS)
        z = (z - m2_ref[...]) * s2 + be2_ref[...]
        z = jnp.maximum(z, 0.0)
        z_ref[...] = jnp.dot(z, w4_ref[...],
                             preferred_element_type=jnp.float32) + b4_ref[...]


def _post_call(p0, p1, hs, hist_t, batch2, w3, b3, g2, be2, m2, v2, w4, b4):
    vec = pl.BlockSpec((1, D), lambda i: (0, 0))
    node = pl.BlockSpec((BR, D), lambda i: (i, 0))
    return pl.pallas_call(
        _post_body,
        grid=(NBLK,),
        in_specs=[
            node, node, node,
            pl.BlockSpec((BR, 2), lambda i: (i, 0)),
            pl.BlockSpec((BR, 1), lambda i: (i, 0)),
            pl.BlockSpec((D, D), lambda i: (0, 0)),
            vec, vec, vec, vec, vec,
            pl.BlockSpec((D, 1), lambda i: (0, 0)),
            pl.BlockSpec((1, 1), lambda i: (0, 0)),
        ],
        out_specs=pl.BlockSpec((G, 1), lambda i: (0, 0)),
        out_shape=jax.ShapeDtypeStruct((G, 1), jnp.float32),
        scratch_shapes=[
            pltpu.VMEM((G, D), jnp.float32),
            pltpu.VMEM((G, D), jnp.float32),
        ],
    )(p0, p1, hs, hist_t, batch2, w3, b3, g2, be2, m2, v2, w4, b4)


def kernel(x, edge_index, edge_attr, batch, W1, b1, g1, be1, m1, v1,
           W2, b2, W3, b3, g2, be2, m2, v2, W4, b4):
    row = edge_index[0].astype(jnp.int32)
    col = edge_index[1].astype(jnp.int32)
    ea = edge_attr.astype(jnp.float32)

    hx = jax.ops.segment_sum(jnp.ones((E,), jnp.float32), row,
                             num_segments=N)
    hist_t = jnp.stack([hx, jnp.zeros((N,), jnp.float32)], axis=1)

    hs = _pre_call(x, W1, b1.reshape(1, D), g1.reshape(1, D),
                   be1.reshape(1, D), m1.reshape(1, D), v1.reshape(1, D),
                   W2, b2.reshape(1, D), hist_t)

    parts = _scat_call(hs, row, col, ea,
                       jnp.zeros((NP, D), jnp.float32))

    z = _post_call(parts[0, :N], parts[1, :N], hs, hist_t,
                   batch.astype(jnp.int32).reshape(N, 1),
                   W3, b3.reshape(1, D), g2.reshape(1, D), be2.reshape(1, D),
                   m2.reshape(1, D), v2.reshape(1, D), W4, b4.reshape(1, 1))
    return z

# --- scband reference (transcript-rebuilt; emitter-appended) ---
"""Pipeline reference for scband-net-89378269430261 (READ-ONLY COPY).

The authoritative reference and input builder live on the scoring server;
editing this copy changes nothing except your own understanding.
"""

import jax, jax.numpy as jnp
import numpy as np

N_NODES = 10000
N_EDGES = 320000
D = 128
N_GRAPHS = 64
EPS = 1e-5

def setup_inputs(seed: int = 0):
    key = jax.random.key(seed)
    ks = jax.random.split(key, 16)
    s = 1.0 / np.sqrt(D)
    inp = {}
    inp['x'] = jax.random.normal(ks[0], (N_NODES, D), dtype=jnp.float32)
    inp['edge_index'] = jax.random.randint(ks[1], (2, N_EDGES), 0, N_NODES)
    inp['edge_attr'] = jax.random.uniform(ks[2], (N_EDGES,), dtype=jnp.float32)
    inp['batch'] = jnp.sort(jax.random.randint(ks[3], (N_NODES,), 0, N_GRAPHS))
    inp['W1'] = jax.random.normal(ks[4], (D, D), dtype=jnp.float32) * s
    inp['b1'] = jnp.zeros((D,), jnp.float32)
    inp['g1'] = jnp.ones((D,), jnp.float32)
    inp['be1'] = jnp.zeros((D,), jnp.float32)
    inp['m1'] = jnp.zeros((D,), jnp.float32)
    inp['v1'] = jnp.ones((D,), jnp.float32)
    inp['W2'] = jax.random.normal(ks[5], (D, D), dtype=jnp.float32) * s
    inp['b2'] = jnp.zeros((D,), jnp.float32)
    inp['W3'] = jax.random.normal(ks[6], (D, D), dtype=jnp.float32) * s
    inp['b3'] = jnp.zeros((D,), jnp.float32)
    inp['g2'] = jnp.ones((D,), jnp.float32)
    inp['be2'] = jnp.zeros((D,), jnp.float32)
    inp['m2'] = jnp.zeros((D,), jnp.float32)
    inp['v2'] = jnp.ones((D,), jnp.float32)
    inp['W4'] = jax.random.normal(ks[7], (D, 1), dtype=jnp.float32) * s
    inp['b4'] = jnp.zeros((1,), jnp.float32)
    return inp

def _bn(h, g, b, m, v):
    return (h - m) / jnp.sqrt(v + EPS) * g + b

def reference(x, edge_index, edge_attr, batch, W1, b1, g1, be1, m1, v1, W2, b2, W3, b3, g2, be2, m2, v2, W4, b4):
    n = x.shape[0]
    loops = jnp.arange(n, dtype=edge_index.dtype)
    ei = jnp.concatenate([edge_index, jnp.stack([loops, loops])], axis=1)
    ea = jnp.concatenate([edge_attr, jnp.ones((n,), edge_attr.dtype)])
    row, col = ei[0], ei[1]
    deg = jax.ops.segment_sum(jnp.ones_like(ea), row, num_segments=n)
    dinv = deg ** -0.5
    norm = dinv[row] * dinv[col]
    h = x @ W1 + b1
    h = _bn(h, g1, be1, m1, v1)
    h = jax.nn.relu(h)
    h = h @ W2 + b2
    msg = (norm * ea)[:, None] * h[row]
    agg = jax.ops.segment_sum(msg, col, num_segments=n)
    agg = jax.nn.relu(agg)
    cnt = jax.ops.segment_sum(jnp.ones((n,), jnp.float32), batch, num_segments=N_GRAPHS)
    pooled = jax.ops.segment_sum(agg, batch, num_segments=N_GRAPHS) / jnp.maximum(cnt, 1.0)[:, None]
    z = pooled @ W3 + b3
    z = _bn(z, g2, be2, m2, v2)
    z = jax.nn.relu(z)
    z = z @ W4 + b4
    return z

if __name__ == "__main__":
    import jax
    _d = setup_inputs()
    print(jax.jit(kernel)(*tuple(_d.values())))

</pallas_src>

<mosaic_0001>
#map = affine_map<(d0, d1) -> (0, 0)>
#map1 = affine_map<(d0, d1) -> (0)>
#map2 = affine_map<(d0, d1) -> (0, 0, 0)>
module attributes {stable_mosaic.version = 14 : i64} {
  func.func @_scat_body(%arg0: i32, %arg1: i32, %arg2: memref<10000x128xf32, #tpu.memory_space<hbm>>, %arg3: memref<320000xi32, #tpu.memory_space<hbm>>, %arg4: memref<320000xi32, #tpu.memory_space<hbm>>, %arg5: memref<320000xf32, #tpu.memory_space<hbm>>, %arg6: memref<10240x128xf32, #tpu.memory_space<hbm>>, %arg7: memref<2x10240x128xf32, #tpu.memory_space<hbm>>, %arg8: memref<80xi32, #tpu.memory_space<vmem>>, %arg9: memref<80xi32, #tpu.memory_space<vmem>>, %arg10: memref<80xf32, #tpu.memory_space<vmem>>, %arg11: memref<80x128xf32, #tpu.memory_space<vmem>>, %arg12: memref<!tpu.dma_semaphore, #tpu.memory_space<semaphore_mem>>, %arg13: memref<!tpu.dma_semaphore, #tpu.memory_space<semaphore_mem>>, %arg14: memref<!tpu.dma_semaphore, #tpu.memory_space<semaphore_mem>>, %arg15: memref<!tpu.dma_semaphore, #tpu.memory_space<semaphore_mem>>, %arg16: memref<10240x128xf32, #tpu.memory_space<vmem_shared>>) attributes {dimension_semantics = [#tpu.dimension_semantics<core_parallel>, #tpu.dimension_semantics<subcore_parallel>], iteration_bounds = array<i64: 2, 16>, scalar_prefetch = 0 : i64, scratch_operands = 9 : i64, tpu.core_type = #tpu.core_type<sc_vector_subcore>, window_params = [{transform_indices = #map}, {transform_indices = #map1}, {transform_indices = #map1}, {transform_indices = #map1}, {transform_indices = #map}, {transform_indices = #map2}]} {
    %mul3A = arith.constant 2 : i32
    %mul3A_0 = arith.muli %arg1, %mul3A : i32
    %add3A = arith.addi %mul3A_0, %arg0 : i32
    %mul3A_1 = arith.constant 640 : i32
    %mul3A_2 = arith.muli %arg1, %mul3A_1 : i32
    %mul3A_3 = arith.constant 640 : i32
    %mul3A_4 = arith.muli %arg1, %mul3A_3 : i32
    "tpu.region"() ({
      %run_scoped3A = tpu.sem_alloc : memref<!tpu.dma_semaphore, #tpu.memory_space<semaphore_mem>>
      %dma_start3A = arith.constant 0 : i32
      %dma_start3A_15 = tpu.memref_slice %arg16[%mul3A_4, %dma_start3A] : memref<10240x128xf32, #tpu.memory_space<vmem_shared>> -> memref<640x128xf32, #tpu.memory_space<vmem_shared>>
      %dma_start3A_16 = arith.constant 0 : i32
      %dma_start3A_17 = tpu.memref_slice %arg6[%mul3A_2, %dma_start3A_16] : memref<10240x128xf32, #tpu.memory_space<hbm>> -> memref<640x128xf32, #tpu.memory_space<hbm>>
      tpu.enqueue_dma source(%dma_start3A_17 : memref<640x128xf32, #tpu.memory_space<hbm>>) target(%dma_start3A_15 : memref<640x128xf32, #tpu.memory_space<vmem_shared>>) target_semaphore(%run_scoped3A : memref<!tpu.dma_semaphore, #tpu.memory_space<semaphore_mem>>)
      %dma_wait3A = arith.constant 0 : i32
      %dma_wait3A_18 = tpu.memref_slice %arg16[%mul3A_4, %dma_wait3A] : memref<10240x128xf32, #tpu.memory_space<vmem_shared>> -> memref<640x128xf32, #tpu.memory_space<vmem_shared>>
      %dma_wait3A_19 = arith.constant 0 : i32
      %dma_wait3A_20 = tpu.memref_slice %arg6[%mul3A_2, %dma_wait3A_19] : memref<10240x128xf32, #tpu.memory_space<hbm>> -> memref<640x128xf32, #tpu.memory_space<hbm>>
      tpu.wait_dma2 semaphore(%run_scoped3A : memref<!tpu.dma_semaphore, #tpu.memory_space<semaphore_mem>>) src(%dma_wait3A_20 : memref<640x128xf32, #tpu.memory_space<hbm>>) dst(%dma_wait3A_18 : memref<640x128xf32, #tpu.memory_space<vmem_shared>>)
      tpu.yield
    }) : () -> ()
    %barrier3A = arith.constant 0 : index
    tpu.barrier barrier_id(%barrier3A)
    %scan3A = arith.constant 0 : i32
    %scan3A_5 = arith.constant 0 : i32
    %scan3A_6 = arith.constant 125 : i32
    %scan3A_7 = arith.addi %scan3A_5, %scan3A_6 : i32
    %scan3A_8 = arith.constant 1 : i32
    scf.for %scan3A_15 = %scan3A_5 to %scan3A_7 step %scan3A_8  : i32 {
      %mul3A_16 = arith.constant 10000 : i32
      %mul3A_17 = arith.muli %add3A, %mul3A_16 : i32
      %mul3A_18 = arith.constant 80 : i32
      %mul3A_19 = arith.muli %scan3A_15, %mul3A_18 : i32
      %add3A_20 = arith.addi %mul3A_17, %mul3A_19 : i32
      %dma_start3A = tpu.memref_slice %arg3[%add3A_20] : memref<320000xi32, #tpu.memory_space<hbm>> -> memref<80xi32, #tpu.memory_space<hbm>>
      %dma_start3A_21 = tpu.memref_slice %arg3[%add3A_20] : memref<320000xi32, #tpu.memory_space<hbm>> -> memref<80xi32, #tpu.memory_space<hbm>>
      tpu.enqueue_dma source(%dma_start3A_21 : memref<80xi32, #tpu.memory_space<hbm>>) target(%arg8 : memref<80xi32, #tpu.memory_space<vmem>>) target_semaphore(%arg12 : memref<!tpu.dma_semaphore, #tpu.memory_space<semaphore_mem>>)
      %dma_wait3A = tpu.memref_slice %arg3[%add3A_20] : memref<320000xi32, #tpu.memory_space<hbm>> -> memref<80xi32, #tpu.memory_space<hbm>>
      %dma_wait3A_22 = tpu.memref_slice %arg3[%add3A_20] : memref<320000xi32, #tpu.memory_space<hbm>> -> memref<80xi32, #tpu.memory_space<hbm>>
      tpu.wait_dma2 semaphore(%arg12 : memref<!tpu.dma_semaphore, #tpu.memory_space<semaphore_mem>>) src(%dma_wait3A_22 : memref<80xi32, #tpu.memory_space<hbm>>) dst(%arg8 : memref<80xi32, #tpu.memory_space<vmem>>)
      %dma_start3A_23 = tpu.memref_slice %arg4[%add3A_20] : memref<320000xi32, #tpu.memory_space<hbm>> -> memref<80xi32, #tpu.memory_space<hbm>>
      %dma_start3A_24 = tpu.memref_slice %arg4[%add3A_20] : memref<320000xi32, #tpu.memory_space<hbm>> -> memref<80xi32, #tpu.memory_space<hbm>>
      tpu.enqueue_dma source(%dma_start3A_24 : memref<80xi32, #tpu.memory_space<hbm>>) target(%arg9 : memref<80xi32, #tpu.memory_space<vmem>>) target_semaphore(%arg13 : memref<!tpu.dma_semaphore, #tpu.memory_space<semaphore_mem>>)
      %dma_wait3A_25 = tpu.memref_slice %arg4[%add3A_20] : memref<320000xi32, #tpu.memory_space<hbm>> -> memref<80xi32, #tpu.memory_space<hbm>>
      %dma_wait3A_26 = tpu.memref_slice %arg4[%add3A_20] : memref<320000xi32, #tpu.memory_space<hbm>> -> memref<80xi32, #tpu.memory_space<hbm>>
      tpu.wait_dma2 semaphore(%arg13 : memref<!tpu.dma_semaphore, #tpu.memory_space<semaphore_mem>>) src(%dma_wait3A_26 : memref<80xi32, #tpu.memory_space<hbm>>) dst(%arg9 : memref<80xi32, #tpu.memory_space<vmem>>)
      %dma_start3A_27 = tpu.memref_slice %arg5[%add3A_20] : memref<320000xf32, #tpu.memory_space<hbm>> -> memref<80xf32, #tpu.memory_space<hbm>>
      %dma_start3A_28 = tpu.memref_slice %arg5[%add3A_20] : memref<320000xf32, #tpu.memory_space<hbm>> -> memref<80xf32, #tpu.memory_space<hbm>>
      tpu.enqueue_dma source(%dma_start3A_28 : memref<80xf32, #tpu.memory_space<hbm>>) target(%arg10 : memref<80xf32, #tpu.memory_space<vmem>>) target_semaphore(%arg14 : memref<!tpu.dma_semaphore, #tpu.memory_space<semaphore_mem>>)
      %dma_wait3A_29 = tpu.memref_slice %arg5[%add3A_20] : memref<320000xf32, #tpu.memory_space<hbm>> -> memref<80xf32, #tpu.memory_space<hbm>>
      %dma_wait3A_30 = tpu.memref_slice %arg5[%add3A_20] : memref<320000xf32, #tpu.memory_space<hbm>> -> memref<80xf32, #tpu.memory_space<hbm>>
      tpu.wait_dma2 semaphore(%arg14 : memref<!tpu.dma_semaphore, #tpu.memory_space<semaphore_mem>>) src(%dma_wait3A_30 : memref<80xf32, #tpu.memory_space<hbm>>) dst(%arg10 : memref<80xf32, #tpu.memory_space<vmem>>)
      %dma_start3A_31 = arith.constant 0 : i32
      %dma_start3A_32 = arith.constant 0 : i32
      %dma_start3A_33 = tpu.memref_slice %arg2[%dma_start3A_31, %dma_start3A_32] : memref<10000x128xf32, #tpu.memory_space<hbm>> -> memref<10000x128xf32, #tpu.memory_space<hbm>>
      tpu.enqueue_indirect_dma source(%dma_start3A_33 : memref<10000x128xf32, #tpu.memory_space<hbm>>) target(%arg11 : memref<80x128xf32, #tpu.memory_space<vmem>>) offsets(%arg8 : memref<80xi32, #tpu.memory_space<vmem>>) semaphore(%arg15 : memref<!tpu.dma_semaphore, #tpu.memory_space<semaphore_mem>>)
      %dma_wait3A_34 = arith.constant 0 : i32
      %dma_wait3A_35 = arith.constant 0 : i32
      %dma_wait3A_36 = tpu.memref_slice %arg2[%dma_wait3A_34, %dma_wait3A_35] : memref<10000x128xf32, #tpu.memory_space<hbm>> -> memref<10000x128xf32, #tpu.memory_space<hbm>>
      tpu.wait_indirect_dma semaphore(%arg15 : memref<!tpu.dma_semaphore, #tpu.memory_space<semaphore_mem>>) src(%dma_wait3A_36 : memref<10000x128xf32, #tpu.memory_space<hbm>>) dst(%arg11 : memref<80x128xf32, #tpu.memory_space<vmem>>)
      %scan3A_37 = arith.constant 0 : i32
      %scan3A_38 = arith.constant 0 : i32
      %scan3A_39 = arith.constant 80 : i32
      %scan3A_40 = arith.addi %scan3A_38, %scan3A_39 : i32
      %scan3A_41 = arith.constant 1 : i32
      scf.for %scan3A_43 = %scan3A_38 to %scan3A_40 step %scan3A_41  : i32 {
        %broadcast_in_dim3A = arith.constant 0 : i32
        %broadcast_in_dim3A_44 = vector.broadcast %broadcast_in_dim3A : i32 to vector<16xi32>
        %add3A_45 = vector.broadcast %scan3A_43 : i32 to vector<16xi32>
        %add3A_46 = arith.addi %broadcast_in_dim3A_44, %add3A_45 : vector<16xi32>
        %gather3A = tpu.vector_load_idx %arg10[%add3A_46] : memref<80xf32, #tpu.memory_space<vmem>>[vector<16xi32>], vector<16xf32>,
        %get3A = arith.index_cast %scan3A_43 : i32 to index
        %get3A_47 = arith.constant 0 : index
        %get3A_48 = tpu.vector_load %arg11[%get3A, %get3A_47] {strides = array<i32>} : memref<80x128xf32, #tpu.memory_space<vmem>>, vector<16xf32>,
        %mul3A_49 = arith.mulf %get3A_48, %gather3A : vector<16xf32>
        %swap3A = arith.index_cast %scan3A_43 : i32 to index
        %swap3A_50 = arith.constant 0 : index
        %swap3A_51 = tpu.vector_load %arg11[%swap3A, %swap3A_50] {strides = array<i32>} : memref<80x128xf32, #tpu.memory_space<vmem>>, vector<16xf32>,
        tpu.vector_store %arg11[%swap3A, %swap3A_50], %mul3A_49 {strides = array<i32>} : memref<80x128xf32, #tpu.memory_space<vmem>>, vector<16xf32>,
        %get3A_52 = arith.index_cast %scan3A_43 : i32 to index
        %get3A_53 = arith.constant 16 : index
        %get3A_54 = tpu.vector_load %arg11[%get3A_52, %get3A_53] {strides = array<i32>} : memref<80x128xf32, #tpu.memory_space<vmem>>, vector<16xf32>,
        %mul3A_55 = arith.mulf %get3A_54, %gather3A : vector<16xf32>
        %swap3A_56 = arith.index_cast %scan3A_43 : i32 to index
        %swap3A_57 = arith.constant 16 : index
        %swap3A_58 = tpu.vector_load %arg11[%swap3A_56, %swap3A_57] {strides = array<i32>} : memref<80x128xf32, #tpu.memory_space<vmem>>, vector<16xf32>,
        tpu.vector_store %arg11[%swap3A_56, %swap3A_57], %mul3A_55 {strides = array<i32>} : memref<80x128xf32, #tpu.memory_space<vmem>>, vector<16xf32>,
        %get3A_59 = arith.index_cast %scan3A_43 : i32 to index
        %get3A_60 = arith.constant 32 : index
        %get3A_61 = tpu.vector_load %arg11[%get3A_59, %get3A_60] {strides = array<i32>} : memref<80x128xf32, #tpu.memory_space<vmem>>, vector<16xf32>,
        %mul3A_62 = arith.mulf %get3A_61, %gather3A : vector<16xf32>
        %swap3A_63 = arith.index_cast %scan3A_43 : i32 to index
        %swap3A_64 = arith.constant 32 : index
        %swap3A_65 = tpu.vector_load %arg11[%swap3A_63, %swap3A_64] {strides = array<i32>} : memref<80x128xf32, #tpu.memory_space<vmem>>, vector<16xf32>,
        tpu.vector_store %arg11[%swap3A_63, %swap3A_64], %mul3A_62 {strides = array<i32>} : memref<80x128xf32, #tpu.memory_space<vmem>>, vector<16xf32>,
        %get3A_66 = arith.index_cast %scan3A_43 : i32 to index
        %get3A_67 = arith.constant 48 : index
        %get3A_68 = tpu.vector_load %arg11[%get3A_66, %get3A_67] {strides = array<i32>} : memref<80x128xf32, #tpu.memory_space<vmem>>, vector<16xf32>,
        %mul3A_69 = arith.mulf %get3A_68, %gather3A : vector<16xf32>
        %swap3A_70 = arith.index_cast %scan3A_43 : i32 to index
        %swap3A_71 = arith.constant 48 : index
        %swap3A_72 = tpu.vector_load %arg11[%swap3A_70, %swap3A_71] {strides = array<i32>} : memref<80x128xf32, #tpu.memory_space<vmem>>, vector<16xf32>,
        tpu.vector_store %arg11[%swap3A_70, %swap3A_71], %mul3A_69 {strides = array<i32>} : memref<80x128xf32, #tpu.memory_space<vmem>>, vector<16xf32>,
        %get3A_73 = arith.index_cast %scan3A_43 : i32 to index
        %get3A_74 = arith.constant 64 : index
        %get3A_75 = tpu.vector_load %arg11[%get3A_73, %get3A_74] {strides = array<i32>} : memref<80x128xf32, #tpu.memory_space<vmem>>, vector<16xf32>,
        %mul3A_76 = arith.mulf %get3A_75, %gather3A : vector<16xf32>
        %swap3A_77 = arith.index_cast %scan3A_43 : i32 to index
        %swap3A_78 = arith.constant 64 : index
        %swap3A_79 = tpu.vector_load %arg11[%swap3A_77, %swap3A_78] {strides = array<i32>} : memref<80x128xf32, #tpu.memory_space<vmem>>, vector<16xf32>,
        tpu.vector_store %arg11[%swap3A_77, %swap3A_78], %mul3A_76 {strides = array<i32>} : memref<80x128xf32, #tpu.memory_space<vmem>>, vector<16xf32>,
        %get3A_80 = arith.index_cast %scan3A_43 : i32 to index
        %get3A_81 = arith.constant 80 : index
        %get3A_82 = tpu.vector_load %arg11[%get3A_80, %get3A_81] {strides = array<i32>} : memref<80x128xf32, #tpu.memory_space<vmem>>, vector<16xf32>,
        %mul3A_83 = arith.mulf %get3A_82, %gather3A : vector<16xf32>
        %swap3A_84 = arith.index_cast %scan3A_43 : i32 to index
        %swap3A_85 = arith.constant 80 : index
        %swap3A_86 = tpu.vector_load %arg11[%swap3A_84, %swap3A_85] {strides = array<i32>} : memref<80x128xf32, #tpu.memory_space<vmem>>, vector<16xf32>,
        tpu.vector_store %arg11[%swap3A_84, %swap3A_85], %mul3A_83 {strides = array<i32>} : memref<80x128xf32, #tpu.memory_space<vmem>>, vector<16xf32>,
        %get3A_87 = arith.index_cast %scan3A_43 : i32 to index
        %get3A_88 = arith.constant 96 : index
        %get3A_89 = tpu.vector_load %arg11[%get3A_87, %get3A_88] {strides = array<i32>} : memref<80x128xf32, #tpu.memory_space<vmem>>, vector<16xf32>,
        %mul3A_90 = arith.mulf %get3A_89, %gather3A : vector<16xf32>
        %swap3A_91 = arith.index_cast %scan3A_43 : i32 to index
        %swap3A_92 = arith.constant 96 : index
        %swap3A_93 = tpu.vector_load %arg11[%swap3A_91, %swap3A_92] {strides = array<i32>} : memref<80x128xf32, #tpu.memory_space<vmem>>, vector<16xf32>,
        tpu.vector_store %arg11[%swap3A_91, %swap3A_92], %mul3A_90 {strides = array<i32>} : memref<80x128xf32, #tpu.memory_space<vmem>>, vector<16xf32>,
        %get3A_94 = arith.index_cast %scan3A_43 : i32 to index
        %get3A_95 = arith.constant 112 : index
        %get3A_96 = tpu.vector_load %arg11[%get3A_94, %get3A_95] {strides = array<i32>} : memref<80x128xf32, #tpu.memory_space<vmem>>, vector<16xf32>,
        %mul3A_97 = arith.mulf %get3A_96, %gather3A : vector<16xf32>
        %swap3A_98 = arith.index_cast %scan3A_43 : i32 to index
        %swap3A_99 = arith.constant 112 : index
        %swap3A_100 = tpu.vector_load %arg11[%swap3A_98, %swap3A_99] {strides = array<i32>} : memref<80x128xf32, #tpu.memory_space<vmem>>, vector<16xf32>,
        tpu.vector_store %arg11[%swap3A_98, %swap3A_99], %mul3A_97 {strides = array<i32>} : memref<80x128xf32, #tpu.memory_space<vmem>>, vector<16xf32>,
      }
      %scan3A_42 = arith.constant 80 : i32
      "tpu.region"() ({
        %run_scoped3A = tpu.sem_alloc : memref<!tpu.dma_semaphore, #tpu.memory_space<semaphore_mem>>
        %dma_start3A_43 = arith.constant 0 : i32
        %dma_start3A_44 = arith.constant 0 : i32
        %dma_start3A_45 = tpu.memref_slice %arg16[%dma_start3A_43, %dma_start3A_44] : memref<10240x128xf32, #tpu.memory_space<vmem_shared>> -> memref<10240x128xf32, #tpu.memory_space<vmem_shared>>
        tpu.enqueue_indirect_dma source(%arg11 : memref<80x128xf32, #tpu.memory_space<vmem>>) target(%dma_start3A_45 : memref<10240x128xf32, #tpu.memory_space<vmem_shared>>) offsets(%arg9 : memref<80xi32, #tpu.memory_space<vmem>>) semaphore(%run_scoped3A : memref<!tpu.dma_semaphore, #tpu.memory_space<semaphore_mem>>) {add = true}
        %dma_wait3A_46 = arith.constant 0 : i32
        %dma_wait3A_47 = arith.constant 0 : i32
        %dma_wait3A_48 = tpu.memref_slice %arg16[%dma_wait3A_46, %dma_wait3A_47] : memref<10240x128xf32, #tpu.memory_space<vmem_shared>> -> memref<10240x128xf32, #tpu.memory_space<vmem_shared>>
        tpu.wait_indirect_dma semaphore(%run_scoped3A : memref<!tpu.dma_semaphore, #tpu.memory_space<semaphore_mem>>) src(%arg11 : memref<80x128xf32, #tpu.memory_space<vmem>>) dst(%dma_wait3A_48 : memref<10240x128xf32, #tpu.memory_space<vmem_shared>>)
        tpu.yield
      }) : () -> ()
    }
    %scan3A_9 = arith.constant 125 : i32
    %barrier3A_10 = arith.constant 0 : index
    tpu.barrier barrier_id(%barrier3A_10)
    %mul3A_11 = arith.constant 640 : i32
    %mul3A_12 = arith.muli %arg1, %mul3A_11 : i32
    %mul3A_13 = arith.constant 640 : i32
    %mul3A_14 = arith.muli %arg1, %mul3A_13 : i32
    "tpu.region"() ({
      %run_scoped3A = tpu.sem_alloc : memref<!tpu.dma_semaphore, #tpu.memory_space<semaphore_mem>>
      %dma_start3A = arith.constant 0 : i32
      %dma_start3A_15 = tpu.memref_slice %arg7[%arg0, %mul3A_14, %dma_start3A] : memref<2x10240x128xf32, #tpu.memory_space<hbm>> -> memref<1x640x128xf32, #tpu.memory_space<hbm>>
      %dma_start3A_16 = tpu.memref_squeeze %dma_start3A_15 : memref<1x640x128xf32, #tpu.memory_space<hbm>> -> memref<640x128xf32, #tpu.memory_space<hbm>>
      %dma_start3A_17 = arith.constant 0 : i32
      %dma_start3A_18 = tpu.memref_slice %arg16[%mul3A_12, %dma_start3A_17] : memref<10240x128xf32, #tpu.memory_space<vmem_shared>> -> memref<640x128xf32, #tpu.memory_space<vmem_shared>>
      tpu.enqueue_dma source(%dma_start3A_18 : memref<640x128xf32, #tpu.memory_space<vmem_shared>>) target(%dma_start3A_16 : memref<640x128xf32, #tpu.memory_space<hbm>>) target_semaphore(%run_scoped3A : memref<!tpu.dma_semaphore, #tpu.memory_space<semaphore_mem>>)
      %dma_wait3A = arith.constant 0 : i32
      %dma_wait3A_19 = tpu.memref_slice %arg7[%arg0, %mul3A_14, %dma_wait3A] : memref<2x10240x128xf32, #tpu.memory_space<hbm>> -> memref<1x640x128xf32, #tpu.memory_space<hbm>>
      %dma_wait3A_20 = tpu.memref_squeeze %dma_wait3A_19 : memref<1x640x128xf32, #tpu.memory_space<hbm>> -> memref<640x128xf32, #tpu.memory_space<hbm>>
      %dma_wait3A_21 = arith.constant 0 : i32
      %dma_wait3A_22 = tpu.memref_slice %arg16[%mul3A_12, %dma_wait3A_21] : memref<10240x128xf32, #tpu.memory_space<vmem_shared>> -> memref<640x128xf32, #tpu.memory_space<vmem_shared>>
      tpu.wait_dma2 semaphore(%run_scoped3A : memref<!tpu.dma_semaphore, #tpu.memory_space<semaphore_mem>>) src(%dma_wait3A_22 : memref<640x128xf32, #tpu.memory_space<vmem_shared>>) dst(%dma_wait3A_20 : memref<640x128xf32, #tpu.memory_space<hbm>>)
      tpu.yield
    }) : () -> ()
    return
  }
}

module attributes {stable_mosaic.version = 14 : i64} {
  func.func @_pre_body(%arg0: i32, %arg1: memref<400x128xf32, #tpu.memory_space<vmem>>, %arg2: memref<128x128xf32, #tpu.memory_space<vmem>>, %arg3: memref<1x128xf32, #tpu.memory_space<vmem>>, %arg4: memref<1x128xf32, #tpu.memory_space<vmem>>, %arg5: memref<1x128xf32, #tpu.memory_space<vmem>>, %arg6: memref<1x128xf32, #tpu.memory_space<vmem>>, %arg7: memref<1x128xf32, #tpu.memory_space<vmem>>, %arg8: memref<128x128xf32, #tpu.memory_space<vmem>>, %arg9: memref<1x128xf32, #tpu.memory_space<vmem>>, %arg10: memref<400x2xf32, #tpu.memory_space<vmem>>, %arg11: memref<400x128xf32, #tpu.memory_space<vmem>>) attributes {dimension_semantics = [#tpu.dimension_semantics<arbitrary>], iteration_bounds = array<i64: 25>, scalar_prefetch = 0 : i64, scratch_operands = 0 : i64, tpu.core_type = #tpu.core_type<tc>, window_params = [{transform_indices = @transform_0, window_bounds = array<i64: 400, 128>}, {pipeline_mode = #tpu.pipeline_mode<synchronous>, transform_indices = @transform_1, window_bounds = array<i64: 128, 128>}, {pipeline_mode = #tpu.pipeline_mode<synchronous>, transform_indices = @transform_2, window_bounds = array<i64: 1, 128>}, {pipeline_mode = #tpu.pipeline_mode<synchronous>, transform_indices = @transform_3, window_bounds = array<i64: 1, 128>}, {pipeline_mode = #tpu.pipeline_mode<synchronous>, transform_indices = @transform_4, window_bounds = array<i64: 1, 128>}, {pipeline_mode = #tpu.pipeline_mode<synchronous>, transform_indices = @transform_5, window_bounds = array<i64: 1, 128>}, {pipeline_mode = #tpu.pipeline_mode<synchronous>, transform_indices = @transform_6, window_bounds = array<i64: 1, 128>}, {pipeline_mode = #tpu.pipeline_mode<synchronous>, transform_indices = @transform_7, window_bounds = array<i64: 128, 128>}, {pipeline_mode = #tpu.pipeline_mode<synchronous>, transform_indices = @transform_8, window_bounds = array<i64: 1, 128>}, {transform_indices = @transform_9, window_bounds = array<i64: 400, 2>}, {transform_indices = @transform_10, window_bounds = array<i64: 400, 128>}]} {
    %get3A = arith.constant 0 : index
    %get3A_0 = arith.constant 0 : index
    %get3A_1 = vector.load %arg1[%get3A, %get3A_0] : memref<400x128xf32, #tpu.memory_space<vmem>>, vector<400x128xf32>
    %get3A_2 = arith.constant 0 : index
    %get3A_3 = arith.constant 0 : index
    %get3A_4 = vector.load %arg2[%get3A_2, %get3A_3] : memref<128x128xf32, #tpu.memory_space<vmem>>, vector<128x128xf32>
    %dot_general3A = arith.constant dense<0.000000e+00> : vector<400x128xf32>
    %dot_general3A_5 = tpu.matmul %get3A_1, %get3A_4, %dot_general3A {dimension_numbers = #tpu.dot_dimension_numbers<[1], [0], [0], [1], [0, 0, 1, 1], [], []>, transpose_lhs_hint = false} : vector<400x128xf32>, vector<128x128xf32>, vector<400x128xf32> -> vector<400x128xf32>
    %get3A_6 = arith.constant 0 : index
    %get3A_7 = arith.constant 0 : index
    %get3A_8 = vector.load %arg3[%get3A_6, %get3A_7] : memref<1x128xf32, #tpu.memory_space<vmem>>, vector<1x128xf32>
    %add3A = vector.broadcast %get3A_8 : vector<1x128xf32> to vector<400x128xf32>
    %add3A_9 = arith.addf %dot_general3A_5, %add3A : vector<400x128xf32>
    %get3A_10 = arith.constant 0 : index
    %get3A_11 = arith.constant 0 : index
    %get3A_12 = vector.load %arg4[%get3A_10, %get3A_11] : memref<1x128xf32, #tpu.memory_space<vmem>>, vector<1x128xf32>
    %get3A_13 = arith.constant 0 : index
    %get3A_14 = arith.constant 0 : index
    %get3A_15 = vector.load %arg7[%get3A_13, %get3A_14] : memref<1x128xf32, #tpu.memory_space<vmem>>, vector<1x128xf32>
    %add3A_16 = arith.constant 9.99999974E-6 : f32
    %add3A_17 = vector.broadcast %add3A_16 : f32 to vector<1x128xf32>
    %add3A_18 = arith.addf %get3A_15, %add3A_17 : vector<1x128xf32>
    %rsqrt3A = math.rsqrt %add3A_18 : vector<1x128xf32>
    %mul3A = arith.mulf %get3A_12, %rsqrt3A : vector<1x128xf32>
    %get3A_19 = arith.constant 0 : index
    %get3A_20 = arith.constant 0 : index
    %get3A_21 = vector.load %arg6[%get3A_19, %get3A_20] : memref<1x128xf32, #tpu.memory_space<vmem>>, vector<1x128xf32>
    %sub3A = vector.broadcast %get3A_21 : vector<1x128xf32> to vector<400x128xf32>
    %sub3A_22 = arith.subf %add3A_9, %sub3A : vector<400x128xf32>
    %mul3A_23 = vector.broadcast %mul3A : vector<1x128xf32> to vector<400x128xf32>
    %mul3A_24 = arith.mulf %sub3A_22, %mul3A_23 : vector<400x128xf32>
    %get3A_25 = arith.constant 0 : index
    %get3A_26 = arith.constant 0 : index
    %get3A_27 = vector.load %arg5[%get3A_25, %get3A_26] : memref<1x128xf32, #tpu.memory_space<vmem>>, vector<1x128xf32>
    %add3A_28 = vector.broadcast %get3A_27 : vector<1x128xf32> to vector<400x128xf32>
    %add3A_29 = arith.addf %mul3A_24, %add3A_28 : vector<400x128xf32>
    %max3A = arith.constant 0.000000e+00 : f32
    %max3A_30 = vector.broadcast %max3A : f32 to vector<400x128xf32>
    %max3A_31 = arith.maximumf %add3A_29, %max3A_30 : vector<400x128xf32>
    %get3A_32 = arith.constant 0 : index
    %get3A_33 = arith.constant 0 : index
    %get3A_34 = vector.load %arg8[%get3A_32, %get3A_33] : memref<128x128xf32, #tpu.memory_space<vmem>>, vector<128x128xf32>
    %dot_general3A_35 = arith.constant dense<0.000000e+00> : vector<400x128xf32>
    %dot_general3A_36 = tpu.matmul %max3A_31, %get3A_34, %dot_general3A_35 {dimension_numbers = #tpu.dot_dimension_numbers<[1], [0], [0], [1], [0, 0, 1, 1], [], []>, transpose_lhs_hint = false} : vector<400x128xf32>, vector<128x128xf32>, vector<400x128xf32> -> vector<400x128xf32>
    %get3A_37 = arith.constant 0 : index
    %get3A_38 = arith.constant 0 : index
    %get3A_39 = vector.load %arg9[%get3A_37, %get3A_38] : memref<1x128xf32, #tpu.memory_space<vmem>>, vector<1x128xf32>
    %add3A_40 = vector.broadcast %get3A_39 : vector<1x128xf32> to vector<400x128xf32>
    %add3A_41 = arith.addf %dot_general3A_36, %add3A_40 : vector<400x128xf32>
    %get3A_42 = arith.constant 0 : index
    %get3A_43 = arith.constant 0 : index
    %get3A_44 = vector.load %arg10[%get3A_42, %get3A_43] : memref<400x2xf32, #tpu.memory_space<vmem>>, vector<400x2xf32>
    %slice3A = vector.extract_strided_slice %get3A_44 {offsets = [0, 0], sizes = [400, 1], strides = [1, 1]} : vector<400x2xf32> to vector<400x1xf32>
    %squeeze3A = vector.shape_cast %slice3A : vector<400x1xf32> to vector<400xf32>
    %get3A_45 = arith.constant 0 : index
    %get3A_46 = arith.constant 0 : index
    %get3A_47 = vector.load %arg10[%get3A_45, %get3A_46] : memref<400x2xf32, #tpu.memory_space<vmem>>, vector<400x2xf32>
    %slice3A_48 = vector.extract_strided_slice %get3A_47 {offsets = [0, 1], sizes = [400, 1], strides = [1, 1]} : vector<400x2xf32> to vector<400x1xf32>
    %squeeze3A_49 = vector.shape_cast %slice3A_48 : vector<400x1xf32> to vector<400xf32>
    %add3A_50 = arith.addf %squeeze3A, %squeeze3A_49 : vector<400xf32>
    %add3A_51 = arith.constant 1.000000e+00 : f32
    %add3A_52 = vector.broadcast %add3A_51 : f32 to vector<400xf32>
    %add3A_53 = arith.addf %add3A_50, %add3A_52 : vector<400xf32>
    %sqrt3A = math.sqrt %add3A_53 : vector<400xf32>
    %div3A = arith.constant 1.000000e+00 : f32
    %div3A_54 = vector.broadcast %div3A : f32 to vector<400xf32>
    %div3A_55 = arith.divf %div3A_54, %sqrt3A : vector<400xf32>
    %broadcast_in_dim3A = vector.shape_cast %div3A_55 : vector<400xf32> to vector<400x1xf32>
    %mul3A_56 = vector.broadcast %broadcast_in_dim3A : vector<400x1xf32> to vector<400x128xf32>
    %mul3A_57 = arith.mulf %add3A_41, %mul3A_56 : vector<400x128xf32>
    %swap3A = arith.constant 0 : index
    %swap3A_58 = arith.constant 0 : index
    %swap3A_59 = vector.load %arg11[%swap3A, %swap3A_58] : memref<400x128xf32, #tpu.memory_space<vmem>>, vector<400x128xf32>
    tpu.vector_store %arg11[%swap3A, %swap3A_58], %mul3A_57 {strides = array<i32>} : memref<400x128xf32, #tpu.memory_space<vmem>>, vector<400x128xf32>,
    return
  }
  func.func @transform_0(%arg0: i32) -> (i32, i32) {
    %c0_i32 = arith.constant 0 : i32
    %c0_i32_0 = arith.constant 0 : i32
    return %arg0, %c0_i32 : i32, i32
  }
  func.func @transform_1(%arg0: i32) -> (i32, i32) {
    %c0_i32 = arith.constant 0 : i32
    %c0_i32_0 = arith.constant 0 : i32
    %c0_i32_1 = arith.constant 0 : i32
    return %c0_i32, %c0_i32_0 : i32, i32
  }
  func.func @transform_2(%arg0: i32) -> (i32, i32) {
    %c0_i32 = arith.constant 0 : i32
    %c0_i32_0 = arith.constant 0 : i32
    %c0_i32_1 = arith.constant 0 : i32
    return %c0_i32, %c0_i32_0 : i32, i32
  }
  func.func @transform_3(%arg0: i32) -> (i32, i32) {
    %c0_i32 = arith.constant 0 : i32
    %c0_i32_0 = arith.constant 0 : i32
    %c0_i32_1 = arith.constant 0 : i32
    return %c0_i32, %c0_i32_0 : i32, i32
  }
  func.func @transform_4(%arg0: i32) -> (i32, i32) {
    %c0_i32 = arith.constant 0 : i32
    %c0_i32_0 = arith.constant 0 : i32
    %c0_i32_1 = arith.constant 0 : i32
    return %c0_i32, %c0_i32_0 : i32, i32
  }
  func.func @transform_5(%arg0: i32) -> (i32, i32) {
    %c0_i32 = arith.constant 0 : i32
    %c0_i32_0 = arith.constant 0 : i32
    %c0_i32_1 = arith.constant 0 : i32
    return %c0_i32, %c0_i32_0 : i32, i32
  }
  func.func @transform_6(%arg0: i32) -> (i32, i32) {
    %c0_i32 = arith.constant 0 : i32
    %c0_i32_0 = arith.constant 0 : i32
    %c0_i32_1 = arith.constant 0 : i32
    return %c0_i32, %c0_i32_0 : i32, i32
  }
  func.func @transform_7(%arg0: i32) -> (i32, i32) {
    %c0_i32 = arith.constant 0 : i32
    %c0_i32_0 = arith.constant 0 : i32
    %c0_i32_1 = arith.constant 0 : i32
    return %c0_i32, %c0_i32_0 : i32, i32
  }
  func.func @transform_8(%arg0: i32) -> (i32, i32) {
    %c0_i32 = arith.constant 0 : i32
    %c0_i32_0 = arith.constant 0 : i32
    %c0_i32_1 = arith.constant 0 : i32
    return %c0_i32, %c0_i32_0 : i32, i32
  }
  func.func @transform_9(%arg0: i32) -> (i32, i32) {
    %c0_i32 = arith.constant 0 : i32
    %c0_i32_0 = arith.constant 0 : i32
    return %arg0, %c0_i32 : i32, i32
  }
  func.func @transform_10(%arg0: i32) -> (i32, i32) {
    %c0_i32 = arith.constant 0 : i32
    %c0_i32_0 = arith.constant 0 : i32
    return %arg0, %c0_i32 : i32, i32
  }
}

module attributes {stable_mosaic.version = 14 : i64} {
  func.func @_post_body(%arg0: i32, %arg1: memref<400x128xf32, #tpu.memory_space<vmem>>, %arg2: memref<400x128xf32, #tpu.memory_space<vmem>>, %arg3: memref<400x128xf32, #tpu.memory_space<vmem>>, %arg4: memref<400x2xf32, #tpu.memory_space<vmem>>, %arg5: memref<400x1xi32, #tpu.memory_space<vmem>>, %arg6: memref<128x128xf32, #tpu.memory_space<vmem>>, %arg7: memref<1x128xf32, #tpu.memory_space<vmem>>, %arg8: memref<1x128xf32, #tpu.memory_space<vmem>>, %arg9: memref<1x128xf32, #tpu.memory_space<vmem>>, %arg10: memref<1x128xf32, #tpu.memory_space<vmem>>, %arg11: memref<1x128xf32, #tpu.memory_space<vmem>>, %arg12: memref<128x1xf32, #tpu.memory_space<vmem>>, %arg13: memref<1x1xf32, #tpu.memory_space<vmem>>, %arg14: memref<64x1xf32, #tpu.memory_space<vmem>>, %arg15: memref<64x128xf32, #tpu.memory_space<vmem>>, %arg16: memref<64x128xf32, #tpu.memory_space<vmem>>) attributes {dimension_semantics = [#tpu.dimension_semantics<arbitrary>], iteration_bounds = array<i64: 25>, scalar_prefetch = 0 : i64, scratch_operands = 2 : i64, tpu.core_type = #tpu.core_type<tc>, window_params = [{transform_indices = @transform_0, window_bounds = array<i64: 400, 128>}, {transform_indices = @transform_1, window_bounds = array<i64: 400, 128>}, {transform_indices = @transform_2, window_bounds = array<i64: 400, 128>}, {transform_indices = @transform_3, window_bounds = array<i64: 400, 2>}, {transform_indices = @transform_4, window_bounds = array<i64: 400, 1>}, {pipeline_mode = #tpu.pipeline_mode<synchronous>, transform_indices = @transform_5, window_bounds = array<i64: 128, 128>}, {pipeline_mode = #tpu.pipeline_mode<synchronous>, transform_indices = @transform_6, window_bounds = array<i64: 1, 128>}, {pipeline_mode = #tpu.pipeline_mode<synchronous>, transform_indices = @transform_7, window_bounds = array<i64: 1, 128>}, {pipeline_mode = #tpu.pipeline_mode<synchronous>, transform_indices = @transform_8, window_bounds = array<i64: 1, 128>}, {pipeline_mode = #tpu.pipeline_mode<synchronous>, transform_indices = @transform_9, window_bounds = array<i64: 1, 128>}, {pipeline_mode = #tpu.pipeline_mode<synchronous>, transform_indices = @transform_10, window_bounds = array<i64: 1, 128>}, {pipeline_mode = #tpu.pipeline_mode<synchronous>, transform_indices = @transform_11, window_bounds = array<i64: 128, 1>}, {pipeline_mode = #tpu.pipeline_mode<synchronous>, transform_indices = @transform_12, window_bounds = array<i64: 1, 1>}, {pipeline_mode = #tpu.pipeline_mode<synchronous>, transform_indices = @transform_13, window_bounds = array<i64: 64, 1>}]} {
    %eq3A = arith.constant 0 : i32
    %eq3A_0 = arith.cmpi eq, %arg0, %eq3A : i32
    %convert_element_type3A = arith.extui %eq3A_0 : i1 to i32
    %cond3A = arith.constant 0 : i32
    %cond3A_1 = arith.cmpi ne, %convert_element_type3A, %cond3A : i32
    scf.if %cond3A_1 {
      %broadcast_in_dim3A_58 = arith.constant 0.000000e+00 : f32
      %broadcast_in_dim3A_59 = vector.broadcast %broadcast_in_dim3A_58 : f32 to vector<64x128xf32>
      %swap3A_60 = arith.constant 0 : index
      %swap3A_61 = arith.constant 0 : index
      %swap3A_62 = vector.load %arg15[%swap3A_60, %swap3A_61] : memref<64x128xf32, #tpu.memory_space<vmem>>, vector<64x128xf32>
      tpu.vector_store %arg15[%swap3A_60, %swap3A_61], %broadcast_in_dim3A_59 {strides = array<i32>} : memref<64x128xf32, #tpu.memory_space<vmem>>, vector<64x128xf32>,
      %broadcast_in_dim3A_63 = arith.constant 0.000000e+00 : f32
      %broadcast_in_dim3A_64 = vector.broadcast %broadcast_in_dim3A_63 : f32 to vector<64x128xf32>
      %swap3A_65 = arith.constant 0 : index
      %swap3A_66 = arith.constant 0 : index
      %swap3A_67 = vector.load %arg16[%swap3A_65, %swap3A_66] : memref<64x128xf32, #tpu.memory_space<vmem>>, vector<64x128xf32>
      tpu.vector_store %arg16[%swap3A_65, %swap3A_66], %broadcast_in_dim3A_64 {strides = array<i32>} : memref<64x128xf32, #tpu.memory_space<vmem>>, vector<64x128xf32>,
    } else {
    }
    %get3A = arith.constant 0 : index
    %get3A_2 = arith.constant 0 : index
    %get3A_3 = vector.load %arg4[%get3A, %get3A_2] : memref<400x2xf32, #tpu.memory_space<vmem>>, vector<400x2xf32>
    %slice3A = vector.extract_strided_slice %get3A_3 {offsets = [0, 0], sizes = [400, 1], strides = [1, 1]} : vector<400x2xf32> to vector<400x1xf32>
    %squeeze3A = vector.shape_cast %slice3A : vector<400x1xf32> to vector<400xf32>
    %get3A_4 = arith.constant 0 : index
    %get3A_5 = arith.constant 0 : index
    %get3A_6 = vector.load %arg4[%get3A_4, %get3A_5] : memref<400x2xf32, #tpu.memory_space<vmem>>, vector<400x2xf32>
    %slice3A_7 = vector.extract_strided_slice %get3A_6 {offsets = [0, 1], sizes = [400, 1], strides = [1, 1]} : vector<400x2xf32> to vector<400x1xf32>
    %squeeze3A_8 = vector.shape_cast %slice3A_7 : vector<400x1xf32> to vector<400xf32>
    %add3A = arith.addf %squeeze3A, %squeeze3A_8 : vector<400xf32>
    %add3A_9 = arith.constant 1.000000e+00 : f32
    %add3A_10 = vector.broadcast %add3A_9 : f32 to vector<400xf32>
    %add3A_11 = arith.addf %add3A, %add3A_10 : vector<400xf32>
    %sqrt3A = math.sqrt %add3A_11 : vector<400xf32>
    %div3A = arith.constant 1.000000e+00 : f32
    %div3A_12 = vector.broadcast %div3A : f32 to vector<400xf32>
    %div3A_13 = arith.divf %div3A_12, %sqrt3A : vector<400xf32>
    %get3A_14 = arith.constant 0 : index
    %get3A_15 = arith.constant 0 : index
    %get3A_16 = vector.load %arg1[%get3A_14, %get3A_15] : memref<400x128xf32, #tpu.memory_space<vmem>>, vector<400x128xf32>
    %get3A_17 = arith.constant 0 : index
    %get3A_18 = arith.constant 0 : index
    %get3A_19 = vector.load %arg2[%get3A_17, %get3A_18] : memref<400x128xf32, #tpu.memory_space<vmem>>, vector<400x128xf32>
    %add3A_20 = arith.addf %get3A_16, %get3A_19 : vector<400x128xf32>
    %get3A_21 = arith.constant 0 : index
    %get3A_22 = arith.constant 0 : index
    %get3A_23 = vector.load %arg3[%get3A_21, %get3A_22] : memref<400x128xf32, #tpu.memory_space<vmem>>, vector<400x128xf32>
    %add3A_24 = arith.addf %add3A_20, %get3A_23 : vector<400x128xf32>
    %broadcast_in_dim3A = vector.shape_cast %div3A_13 : vector<400xf32> to vector<400x1xf32>
    %mul3A = vector.broadcast %broadcast_in_dim3A : vector<400x1xf32> to vector<400x128xf32>
    %mul3A_25 = arith.mulf %add3A_24, %mul3A : vector<400x128xf32>
    %max3A = arith.constant 0.000000e+00 : f32
    %max3A_26 = vector.broadcast %max3A : f32 to vector<400x128xf32>
    %max3A_27 = arith.maximumf %mul3A_25, %max3A_26 : vector<400x128xf32>
    %get3A_28 = arith.constant 0 : index
    %get3A_29 = arith.constant 0 : index
    %get3A_30 = vector.load %arg5[%get3A_28, %get3A_29] : memref<400x1xi32, #tpu.memory_space<vmem>>, vector<400x1xi32>
    %iota3A = tpu.iota {dimensions = array<i32: 1>} : vector<400x64xi32>
    %eq3A_31 = vector.broadcast %get3A_30 : vector<400x1xi32> to vector<400x64xi32>
    %eq3A_32 = arith.cmpi eq, %eq3A_31, %iota3A : vector<400x64xi32>
    %convert_element_type3A_33 = arith.extui %eq3A_32 : vector<400x64xi1> to vector<400x64xi32>
    %convert_element_type3A_34 = arith.sitofp %convert_element_type3A_33 : vector<400x64xi32> to vector<400x64xf32>
    %get3A_35 = arith.constant 0 : index
    %get3A_36 = arith.constant 0 : index
    %get3A_37 = vector.load %arg15[%get3A_35, %get3A_36] : memref<64x128xf32, #tpu.memory_space<vmem>>, vector<64x128xf32>
    %dot_general3A = arith.constant dense<0.000000e+00> : vector<64x128xf32>
    %dot_general3A_38 = tpu.matmul %convert_element_type3A_34, %max3A_27, %dot_general3A {dimension_numbers = #tpu.dot_dimension_numbers<[0], [0], [1], [1], [0, 1, 1, 1], [], []>, transpose_lhs_hint = false} : vector<400x64xf32>, vector<400x128xf32>, vector<64x128xf32> -> vector<64x128xf32>
    %add3A_39 = arith.addf %get3A_37, %dot_general3A_38 : vector<64x128xf32>
    %swap3A = arith.constant 0 : index
    %swap3A_40 = arith.constant 0 : index
    %swap3A_41 = vector.load %arg15[%swap3A, %swap3A_40] : memref<64x128xf32, #tpu.memory_space<vmem>>, vector<64x128xf32>
    tpu.vector_store %arg15[%swap3A, %swap3A_40], %add3A_39 {strides = array<i32>} : memref<64x128xf32, #tpu.memory_space<vmem>>, vector<64x128xf32>,
    %get3A_42 = arith.constant 0 : index
    %get3A_43 = arith.constant 0 : index
    %get3A_44 = vector.load %arg16[%get3A_42, %get3A_43] : memref<64x128xf32, #tpu.memory_space<vmem>>, vector<64x128xf32>
    %broadcast_in_dim3A_45 = arith.constant 1.000000e+00 : f32
    %broadcast_in_dim3A_46 = vector.broadcast %broadcast_in_dim3A_45 : f32 to vector<400x128xf32>
    %dot_general3A_47 = arith.constant dense<0.000000e+00> : vector<64x128xf32>
    %dot_general3A_48 = tpu.matmul %convert_element_type3A_34, %broadcast_in_dim3A_46, %dot_general3A_47 {dimension_numbers = #tpu.dot_dimension_numbers<[0], [0], [1], [1], [0, 1, 1, 1], [], []>, transpose_lhs_hint = false} : vector<400x64xf32>, vector<400x128xf32>, vector<64x128xf32> -> vector<64x128xf32>
    %add3A_49 = arith.addf %get3A_44, %dot_general3A_48 : vector<64x128xf32>
    %swap3A_50 = arith.constant 0 : index
    %swap3A_51 = arith.constant 0 : index
    %swap3A_52 = vector.load %arg16[%swap3A_50, %swap3A_51] : memref<64x128xf32, #tpu.memory_space<vmem>>, vector<64x128xf32>
    tpu.vector_store %arg16[%swap3A_50, %swap3A_51], %add3A_49 {strides = array<i32>} : memref<64x128xf32, #tpu.memory_space<vmem>>, vector<64x128xf32>,
    %eq3A_53 = arith.constant 24 : i32
    %eq3A_54 = arith.cmpi eq, %arg0, %eq3A_53 : i32
    %convert_element_type3A_55 = arith.extui %eq3A_54 : i1 to i32
    %cond3A_56 = arith.constant 0 : i32
    %cond3A_57 = arith.cmpi ne, %convert_element_type3A_55, %cond3A_56 : i32
    scf.if %cond3A_57 {
      %get3A_58 = arith.constant 0 : index
      %get3A_59 = arith.constant 0 : index
      %get3A_60 = vector.load %arg15[%get3A_58, %get3A_59] : memref<64x128xf32, #tpu.memory_space<vmem>>, vector<64x128xf32>
      %get3A_61 = arith.constant 0 : index
      %get3A_62 = arith.constant 0 : index
      %get3A_63 = vector.load %arg16[%get3A_61, %get3A_62] : memref<64x128xf32, #tpu.memory_space<vmem>>, vector<64x128xf32>
      %max3A_64 = arith.constant 1.000000e+00 : f32
      %max3A_65 = vector.broadcast %max3A_64 : f32 to vector<64x128xf32>
      %max3A_66 = arith.maximumf %get3A_63, %max3A_65 : vector<64x128xf32>
      %div3A_67 = arith.divf %get3A_60, %max3A_66 : vector<64x128xf32>
      %get3A_68 = arith.constant 0 : index
      %get3A_69 = arith.constant 0 : index
      %get3A_70 = vector.load %arg6[%get3A_68, %get3A_69] : memref<128x128xf32, #tpu.memory_space<vmem>>, vector<128x128xf32>
      %dot_general3A_71 = arith.constant dense<0.000000e+00> : vector<64x128xf32>
      %dot_general3A_72 = tpu.matmul %div3A_67, %get3A_70, %dot_general3A_71 {dimension_numbers = #tpu.dot_dimension_numbers<[1], [0], [0], [1], [0, 0, 1, 1], [], []>, transpose_lhs_hint = false} : vector<64x128xf32>, vector<128x128xf32>, vector<64x128xf32> -> vector<64x128xf32>
      %get3A_73 = arith.constant 0 : index
      %get3A_74 = arith.constant 0 : index
      %get3A_75 = vector.load %arg7[%get3A_73, %get3A_74] : memref<1x128xf32, #tpu.memory_space<vmem>>, vector<1x128xf32>
      %add3A_76 = vector.broadcast %get3A_75 : vector<1x128xf32> to vector<64x128xf32>
      %add3A_77 = arith.addf %dot_general3A_72, %add3A_76 : vector<64x128xf32>
      %get3A_78 = arith.constant 0 : index
      %get3A_79 = arith.constant 0 : index
      %get3A_80 = vector.load %arg8[%get3A_78, %get3A_79] : memref<1x128xf32, #tpu.memory_space<vmem>>, vector<1x128xf32>
      %get3A_81 = arith.constant 0 : index
      %get3A_82 = arith.constant 0 : index
      %get3A_83 = vector.load %arg11[%get3A_81, %get3A_82] : memref<1x128xf32, #tpu.memory_space<vmem>>, vector<1x128xf32>
      %add3A_84 = arith.constant 9.99999974E-6 : f32
      %add3A_85 = vector.broadcast %add3A_84 : f32 to vector<1x128xf32>
      %add3A_86 = arith.addf %get3A_83, %add3A_85 : vector<1x128xf32>
      %rsqrt3A = math.rsqrt %add3A_86 : vector<1x128xf32>
      %mul3A_87 = arith.mulf %get3A_80, %rsqrt3A : vector<1x128xf32>
      %get3A_88 = arith.constant 0 : index
      %get3A_89 = arith.constant 0 : index
      %get3A_90 = vector.load %arg10[%get3A_88, %get3A_89] : memref<1x128xf32, #tpu.memory_space<vmem>>, vector<1x128xf32>
      %sub3A = vector.broadcast %get3A_90 : vector<1x128xf32> to vector<64x128xf32>
      %sub3A_91 = arith.subf %add3A_77, %sub3A : vector<64x128xf32>
      %mul3A_92 = vector.broadcast %mul3A_87 : vector<1x128xf32> to vector<64x128xf32>
      %mul3A_93 = arith.mulf %sub3A_91, %mul3A_92 : vector<64x128xf32>
      %get3A_94 = arith.constant 0 : index
      %get3A_95 = arith.constant 0 : index
      %get3A_96 = vector.load %arg9[%get3A_94, %get3A_95] : memref<1x128xf32, #tpu.memory_space<vmem>>, vector<1x128xf32>
      %add3A_97 = vector.broadcast %get3A_96 : vector<1x128xf32> to vector<64x128xf32>
      %add3A_98 = arith.addf %mul3A_93, %add3A_97 : vector<64x128xf32>
      %max3A_99 = arith.constant 0.000000e+00 : f32
      %max3A_100 = vector.broadcast %max3A_99 : f32 to vector<64x128xf32>
      %max3A_101 = arith.maximumf %add3A_98, %max3A_100 : vector<64x128xf32>
      %get3A_102 = arith.constant 0 : index
      %get3A_103 = arith.constant 0 : index
      %get3A_104 = vector.load %arg12[%get3A_102, %get3A_103] : memref<128x1xf32, #tpu.memory_space<vmem>>, vector<128x1xf32>
      %dot_general3A_105 = arith.constant dense<0.000000e+00> : vector<64x1xf32>
      %dot_general3A_106 = tpu.matmul %max3A_101, %get3A_104, %dot_general3A_105 {dimension_numbers = #tpu.dot_dimension_numbers<[1], [0], [0], [1], [0, 0, 1, 1], [], []>, transpose_lhs_hint = false} : vector<64x128xf32>, vector<128x1xf32>, vector<64x1xf32> -> vector<64x1xf32>
      %get3A_107 = arith.constant 0 : index
      %get3A_108 = arith.constant 0 : index
      %get3A_109 = vector.load %arg13[%get3A_107, %get3A_108] : memref<1x1xf32, #tpu.memory_space<vmem>>, vector<1x1xf32>
      %add3A_110 = vector.broadcast %get3A_109 : vector<1x1xf32> to vector<64x1xf32>
      %add3A_111 = arith.addf %dot_general3A_106, %add3A_110 : vector<64x1xf32>
      %swap3A_112 = arith.constant 0 : index
      %swap3A_113 = arith.constant 0 : index
      %swap3A_114 = vector.load %arg14[%swap3A_112, %swap3A_113] : memref<64x1xf32, #tpu.memory_space<vmem>>, vector<64x1xf32>
      tpu.vector_store %arg14[%swap3A_112, %swap3A_113], %add3A_111 {strides = array<i32>} : memref<64x1xf32, #tpu.memory_space<vmem>>, vector<64x1xf32>,
    } else {
    }
    return
  }
  func.func @transform_0(%arg0: i32) -> (i32, i32) {
    %c0_i32 = arith.constant 0 : i32
    %c0_i32_0 = arith.constant 0 : i32
    return %arg0, %c0_i32 : i32, i32
  }
  func.func @transform_1(%arg0: i32) -> (i32, i32) {
    %c0_i32 = arith.constant 0 : i32
    %c0_i32_0 = arith.constant 0 : i32
    return %arg0, %c0_i32 : i32, i32
  }
  func.func @transform_2(%arg0: i32) -> (i32, i32) {
    %c0_i32 = arith.constant 0 : i32
    %c0_i32_0 = arith.constant 0 : i32
    return %arg0, %c0_i32 : i32, i32
  }
  func.func @transform_3(%arg0: i32) -> (i32, i32) {
    %c0_i32 = arith.constant 0 : i32
    %c0_i32_0 = arith.constant 0 : i32
    return %arg0, %c0_i32 : i32, i32
  }
  func.func @transform_4(%arg0: i32) -> (i32, i32) {
    %c0_i32 = arith.constant 0 : i32
    %c0_i32_0 = arith.constant 0 : i32
    return %arg0, %c0_i32 : i32, i32
  }
  func.func @transform_5(%arg0: i32) -> (i32, i32) {
    %c0_i32 = arith.constant 0 : i32
    %c0_i32_0 = arith.constant 0 : i32
    %c0_i32_1 = arith.constant 0 : i32
    return %c0_i32, %c0_i32_0 : i32, i32
  }
  func.func @transform_6(%arg0: i32) -> (i32, i32) {
    %c0_i32 = arith.constant 0 : i32
    %c0_i32_0 = arith.constant 0 : i32
    %c0_i32_1 = arith.constant 0 : i32
    return %c0_i32, %c0_i32_0 : i32, i32
  }
  func.func @transform_7(%arg0: i32) -> (i32, i32) {
    %c0_i32 = arith.constant 0 : i32
    %c0_i32_0 = arith.constant 0 : i32
    %c0_i32_1 = arith.constant 0 : i32
    return %c0_i32, %c0_i32_0 : i32, i32
  }
  func.func @transform_8(%arg0: i32) -> (i32, i32) {
    %c0_i32 = arith.constant 0 : i32
    %c0_i32_0 = arith.constant 0 : i32
    %c0_i32_1 = arith.constant 0 : i32
    return %c0_i32, %c0_i32_0 : i32, i32
  }
  func.func @transform_9(%arg0: i32) -> (i32, i32) {
    %c0_i32 = arith.constant 0 : i32
    %c0_i32_0 = arith.constant 0 : i32
    %c0_i32_1 = arith.constant 0 : i32
    return %c0_i32, %c0_i32_0 : i32, i32
  }
  func.func @transform_10(%arg0: i32) -> (i32, i32) {
    %c0_i32 = arith.constant 0 : i32
    %c0_i32_0 = arith.constant 0 : i32
    %c0_i32_1 = arith.constant 0 : i32
    return %c0_i32, %c0_i32_0 : i32, i32
  }
  func.func @transform_11(%arg0: i32) -> (i32, i32) {
    %c0_i32 = arith.constant 0 : i32
    %c0_i32_0 = arith.constant 0 : i32
    %c0_i32_1 = arith.constant 0 : i32
    return %c0_i32, %c0_i32_0 : i32, i32
  }
  func.func @transform_12(%arg0: i32) -> (i32, i32) {
    %c0_i32 = arith.constant 0 : i32
    %c0_i32_0 = arith.constant 0 : i32
    %c0_i32_1 = arith.constant 0 : i32
    return %c0_i32, %c0_i32_0 : i32, i32
  }
  func.func @transform_13(%arg0: i32) -> (i32, i32) {
    %c0_i32 = arith.constant 0 : i32
    %c0_i32_0 = arith.constant 0 : i32
    %c0_i32_1 = arith.constant 0 : i32
    return %c0_i32, %c0_i32_0 : i32, i32
  }
}

</mosaic_0001>

<sc_bundles>
// kernel: kernel.5.cloned.1.call-start
scs
__scs_entry_jumppad:
0x0: {  	(pc) =	sbr.rel $0x88, $3  }
0x1: {  	(tag) =	ssettag $0x0;
	lr =	simm.s32 $0x1  }
0x2: {  	[smem:$0x3F8D] =	sst lr;
	_ =	strace $0xD0000000  }
0x3: {  	_ = 	snop  }
0x4: {  	_ = 	snop  }
0x5: {  	_ = 	snop  }
0x6: {  	_ = 	snop  }
0x7: {  	_ = 	snop  }
__scs_overlays_trampoline_lowered:
0x8: {  	[smem:$0x3F9C] =	sst s0  }
0x9: {  	[smem:$0x3F9D] =	sst s1  }
0xa: {  	[smem:$0x3F9E] =	sst s2  }
0xb: {  	[smem:$0x3F9F] =	sst s3  }
0xc: {  	[smem:$0x3FA0] =	sst s4  }
0xd: {  	[smem:$0x3FA1] =	sst s5  }
0xe: {  	[smem:$0x3FA2] =	sst s6  }
0xf: {  	[smem:$0x3FA3] =	sst s7  }
0x10: {  	[smem:$0x3FA4] =	sst s8  }
0x11: {  	[smem:$0x3FA5] =	sst s9;
	s0 =	simm.s32 @!p0 $0x0  }
0x12: {  	s1 =	sld [smem:$0x3F8B];
	s0 =	simm.s32 @p0 $0x1  }
0x13: {  	[smem:$0x3FA6] =	sst s0;
	s0 =	simm.s32 @!p1 $0x0  }
0x14: {  	s2 =	sld [smem:$0x3F8A];
	s0 =	simm.s32 @p1 $0x1  }
0x15: {  	[smem:$0x3FA7] =	sst s0;
	s0 =	simm.s32 @!p2 $0x0  }
0x16: {  	s3 =	sld [smem:$0x3FDB];
	s0 =	simm.s32 @p2 $0x1  }
0x17: {  	s4 =	simm.s32 $0x1BF5;
	[smem:$0x3FA9] =	sst s0  }
0x18: {  	s0 =	sld [smem:$0x3F8C];
	_ =	swait.ge [sflag:s4], $0x0  }
0x19: {  	s7 =	sld [smem:$0x3F8D]  }
0x1a: {  	s8 =	sadd.s32 $0xFFFFE003, lr  }
0x1b: {  	s9 =	sadd.s32 $0xFFFFFEF7, lr;
	s5 =	simm.s32 $0xFFFFFFFF;
	p2 =	slt.u32 s8, $0xFFFFF086  }
0x1c: {  	p1 =	slt.u32 s9, $0xF7A;
	s5 =	simm.s32 @!p2 $0x0  }
0x1d: {  	s5 =	simm.s32 @p1 $0x1;
	p0 =	seq.s32 s7, s2  }
0x1e: {  	s7 =	smul.u32 @!p0 $0xF7A, s2;
	p2 =	seq.s32 @!p0 s5, $0x0  }
0x1f: {  	s9 =	smul.u32 $0xF7A, s1;
	s8 =	simm.s32 @!p0 $0x1BF5;
	p2 =	por !p2, p0  }
0x20: {  	[sflag:s8] =	ssyncset.s32 @!p0 $0xFFFFF086;
	s6 =	sadd.s32 @!p0 s3, s7;
	s7 =	simm.s32 @!p0 $0x108  }
0x21: {  	s3 =	sadd.s32 s3, s9;
	s6 =	sadd.s32 @!p0 $0x88, s6;
	s7 =	simm.s32 @p2 $0x1082  }
0x22: {  	[simem:s7], [sflag:s8] =	dma.local @!p0 [hbm:s6], $0xF7A  }
0x23: {  	s9 =	sor.u32 $0xD0000000, s2;
	s6 =	simm.s32 $0x108;
	_ =	swait.ge @!p0 [sflag:s8], $0x0  }
0x24: {  	s3 =	sadd.s32 $0x88, s3;
	s6 =	simm.s32 @!p1 $0x1082;
	[sflag:s4] =	ssyncset.s32 $0xFFFFF086  }
0x25: {  	[simem:s6], [sflag:s4] =	dma.local [hbm:s3], $0xF7A  }
0x26: {  	[smem:$0x3F8D] =	sst s1;
	(tag) =	ssettag s2;
	_ =	strace s9  }
0x27: {  	s1 =	sld [smem:$0x3F9D]  }
0x28: {  	s2 =	sld [smem:$0x3F9E]  }
0x29: {  	s4 =	sld [smem:$0x3FA0]  }
0x2a: {  	p0 =	seq.s32 s5, $0x0;
	s5 =	sld [smem:$0x3FA1]  }
0x2b: {  	s6 =	sld [smem:$0x3FA2]  }
0x2c: {  	s7 =	sld [smem:$0x3FA3]  }
0x2d: {  	s3 =	simm.s32 $0x108;
	s8 =	sld [smem:$0x3FA4]  }
0x2e: {  	s3 =	simm.s32 @!p0 $0x1082;
	s9 =	sld [smem:$0x3FA5]  }
0x2f: {  	lr =	sadd.s32 s0, s3;
	s0 =	sld [smem:$0x3F9C]  }
0x30: {  	s3 =	sld [smem:$0x3F9F]  }
0x31: {  	[smem:$0x3FA8] =	sst s10  }
0x32: {  	s10 =	sld [smem:$0x3FA6];
	_ =	sdelay $0x3  }
0x33: {  	p0 =	seq.s32 s10, $0x1;
	s10 =	sld [smem:$0x3FA8];
	_ =	sdelay $0x3  }
0x34: {  	[smem:$0x3FA8] =	sst s10  }
0x35: {  	s10 =	sld [smem:$0x3FA7];
	_ =	sdelay $0x3  }
0x36: {  	p1 =	seq.s32 s10, $0x1;
	s10 =	sld [smem:$0x3FA8];
	_ =	sdelay $0x3  }
0x37: {  	[smem:$0x3FA8] =	sst s10  }
0x38: {  	s10 =	sld [smem:$0x3FA9]  }
0x39: {  	_ = 	snop;
	(pc) =	sbr.ind lr, $3  }
0x3a: {  	_ = 	snop  }
0x3b: {  	_ = 	snop  }
0x3c: {  	p2 =	seq.s32 s10, $0x1;
	s10 =	sld [smem:$0x3FA8]  }
0x3d: {  	_ =	shalt  }
0x3e: {  	_ =	shalt  }
0x3f: {  	_ =	shalt  }
0x40: {  	_ =	shalt  }
0x41: {  	_ =	shalt  }
0x42: {  	_ =	shalt  }
0x43: {  	_ =	shalt  }
0x44: {  	_ =	shalt  }
0x45: {  	_ =	shalt  }
0x46: {  	_ =	shalt  }
0x47: {  	_ =	shalt  }
0x48: {  	_ =	shalt  }
0x49: {  	_ =	shalt  }
0x4a: {  	_ =	shalt  }
0x4b: {  	_ =	shalt  }
0x4c: {  	_ =	shalt  }
0x4d: {  	_ =	shalt  }
0x4e: {  	_ =	shalt  }
0x4f: {  	_ =	shalt  }
0x50: {  	_ =	shalt  }
0x51: {  	_ =	shalt  }
0x52: {  	_ =	shalt  }
0x53: {  	_ =	shalt  }
0x54: {  	_ =	shalt  }
0x55: {  	_ =	shalt  }
0x56: {  	_ =	shalt  }
0x57: {  	_ =	shalt  }
0x58: {  	_ =	shalt  }
0x59: {  	_ =	shalt  }
0x5a: {  	_ =	shalt  }
0x5b: {  	_ =	shalt  }
0x5c: {  	_ =	shalt  }
0x5d: {  	_ =	shalt  }
0x5e: {  	_ =	shalt  }
0x5f: {  	_ =	shalt  }
0x60: {  	_ =	shalt  }
0x61: {  	_ =	shalt  }
0x62: {  	_ =	shalt  }
0x63: {  	_ =	shalt  }
0x64: {  	_ =	shalt  }
0x65: {  	_ =	shalt  }
0x66: {  	_ =	shalt  }
0x67: {  	_ =	shalt  }
0x68: {  	_ =	shalt  }
0x69: {  	_ =	shalt  }
0x6a: {  	_ =	shalt  }
0x6b: {  	_ =	shalt  }
0x6c: {  	_ =	shalt  }
0x6d: {  	_ =	shalt  }
0x6e: {  	_ =	shalt  }
0x6f: {  	_ =	shalt  }
0x70: {  	_ =	shalt  }
0x71: {  	_ =	shalt  }
0x72: {  	_ =	shalt  }
0x73: {  	_ =	shalt  }
0x74: {  	_ =	shalt  }
0x75: {  	_ =	shalt  }
0x76: {  	_ =	shalt  }
0x77: {  	_ =	shalt  }
0x78: {  	_ =	shalt  }
0x79: {  	_ =	shalt  }
0x7a: {  	_ =	shalt  }
0x7b: {  	_ =	shalt  }
0x7c: {  	_ =	shalt  }
0x7d: {  	_ =	shalt  }
0x7e: {  	_ =	shalt  }
0x7f: {  	_ =	shalt  }
0x80: {  	_ =	shalt  }
0x81: {  	_ =	shalt  }
0x82: {  	_ =	shalt  }
0x83: {  	_ =	shalt  }
0x84: {  	_ =	shalt  }
0x85: {  	_ =	shalt  }
0x86: {  	_ =	shalt  }
0x87: {  	_ =	shalt  }
.Lfunc_end0:
.L_simem_size_0:
called_computation.1_lowered:
.L_overlay_start_0:
0x88: {  	s2 =	sld [smem:$0x3FD9]  }
0x89: {  	s3 =	sld [smem:$0x3FFE];
	_ =	sdelay $0x1  }
0x8a: {  	s1 =	srdreg.scid  }
0x8b: {  	s0 =	sand.u32 $0x1, s1  }
0x8c: {  	s17 =	sshll.u32 s0, $0xA;
	s2 =	sadd.s32 s3, s2  }
0x8d: {  	s2 =	sadd.s32 s2, s17  }
0x8e: {  	[smem:$0x3FB4] =	sst s2  }
0x8f: {  	_ = 	snop  }
0x90: {  	s2 =	sld [smem:$0x3FC7];
	(tm) =	ssettm $0x1  }
0x91: {  	s18 =	sld [smem:$0x3FFB];
	_ =	sdelay $0x3  }
0x92: {  	_ =	strace s18  }
0x93: {  	s3 =	sld [smem:$0x3FFC];
	_ =	sdelay $0x3  }
0x94: {  	_ =	strace s3  }
0x95: {  	s3 =	sld [smem:$0x3FFD];
	_ =	sdelay $0x3  }
0x96: {  	_ =	strace s3  }
0x97: {  	_ =	strace $0x8FFFFFFF  }
0x98: {  	s19 =	sld [smem:$0x3FDB];
	_ =	sdelay $0x1  }
0x99: {  	s4 =	simm.s32 $_scs_section_size  }
0x9a: {  	s5 =	simm.s32 $_size__tile_overlayer_lowered;
	s6 =	simm.s32 $_tile_overlayer_lowered  }
0x9b: {  	s22 =	simm.s32 $0x1BFF;
	s21 =	sshll.u32 s6, $0x1;
	s3 =	sadd.s32 s4, s19  }
0x9c: {  	s7 =	simm.s32 $0x0;
	s20 =	sshll.u32 s5, $0x1;
	s5 =	sadd.s32 s21, s3  }
0x9d: {  	[timem:s7], [sflag:s22] =	dma.local [hbm:s5], s20  }
0x9e: {  	_ =	swait.ge [sflag:s22], s20  }
0x9f: {  	s4 =	ssub.s32 $0x0, s20;
	[sflag:s22] =	ssyncset.done $0x0  }
0xa0: {  	[sflag:s22] =	ssyncadd.s32 s4;
	_ =	sdelay $0x1  }
0xa1: {  	s23 =	simm.s32 $0x1B8B  }
0xa2: {  	_ =	swait.ge [sflag:s23], $0x1  }
0xa3: {  	[sflag:s23] =	ssyncset.done $0x0  }
0xa4: {  	s25 =	simm.s32 $0x1B8E;
	s24 =	sld [smem:$0x3FFE];
	[sflag:s23] =	ssyncadd.s32 $0xFFFFFFFF  }
0xa5: {  	s26 =	simm.s32 $execute0_lowered;
	[smem:$0x3FD2] =	sst s25  }
0xa6: {  	s5 =	sshll.u32 s26, $0x1;
	_ =	strace $0x80000049;
	[dreg:$0x1] =	wrdreg $0xFFFFFFFF  }
0xa7: {  	s28 =	simm.s32 $_size_execute0_lowered;
	s3 =	sadd.s32 s3, s5;
	[dreg:$0x0] =	wrdreg $0x0  }
0xa8: {  	s5 =	sshll.u32 s28, $0x1;
	[dreg:$0x2] =	wrdreg s3  }
0xa9: {  	[dreg:$0x3] =	wrdreg s5  }
0xaa: {  	[dreg:$0x4] =	wrdreg $0xC0  }
0xab: {  	_ =	task [dreg:s7], $0x5FFFF  }
0xac: {  	[dreg:$0x1] =	wrdreg $0xFFFFFFFF  }
0xad: {  	[dreg:$0x0] =	wrdreg $0x60  }
0xae: {  	[dreg:$0x2] =	wrdreg s24  }
0xaf: {  	[dreg:$0x3] =	wrdreg s2  }
0xb0: {  	[dreg:$0x4] =	wrdreg $0x29800  }
0xb1: {  	[dreg:$0x5] =	wrdreg $0x9  }
0xb2: {  	_ =	task.clear_ibuf [dreg:s7], $0x6FFFF;
	_ =	strace $0x90000049  }
0xb3: {  	s29 =	simm.s32 $0x9;
	_ =	strace $0x8000004B  }
0xb4: {  	_ =	swait.ge [sflag:s29], $0x1  }
0xb5: {  	[sflag:s29] =	ssyncadd.s32 $0xFFFFFFFF  }
0xb6: {  	_ =	strace $0x9000004B  }
0xb7: {  	_ =	sfence  }
0xb8: {  	s30 =	sld [smem:$0x0];
	_ =	sdelay $0x2  }
0xb9: {  	s31 =	sshll.u32 s1, $0xD;
	s1 =	sshrl.u32 s1, $0x2  }
0xba: {  	s3 =	sand.u32 $0x4000, s31;
	s1 =	sadd.s32 s1, s30  }
0xbb: {  	s0 =	sor.u32 s3, s0;
	s1 =	sshll.u32 s1, $0x11  }
0xbc: {  	s0 =	sor.u32 s1, s0  }
0xbd: {  	s0 =	sadd.s32 $0x8F2B, s0  }
0xbe: {  	[sflag:s0] =	ssyncadd.remote.s32 $0x1  }
0xbf: {  	_ =	sfence.sel $0xFFFF  }
0xc0: {  	[dreg:$0x0] =	wrdreg $0xFFFFFFFF;
	(pc) =	sbr.abs _section_cstart, $3  }
0xc1: {  	[dreg:$0x1] =	wrdreg $0xFFFFFFFF  }
0xc2: {  	_ =	task.clear_ibuf [dreg:s7], $0x2FFFF;
	_ =	strace $0x9FFFFFFF  }
0xc3: {  	(tm) =	ssettm $0x7FFFFFFF  }
tec
execute0_lowered:
.L_overlay_start_1:
0x0: {  	(tag) =	ssettag $0x1  }
0x1: {  	s8 =	rddreg [dreg:$0x0]  }
0x2: {  	s2 =	rddreg [dreg:$0x1]  }
0x3: {  	s3 =	rddreg [dreg:$0x2]  }
0x4: {  	s0 =	rddreg [dreg:$0x3];
	s1 =	stileid.u32  }
0x5: {  	s5 =	srdreg.scid;
	s4 =	simm.s32 $0x0;
	s16 =	simm.s32 $0x80  }
0x6: {  	s17 =	simm.s32 $0x2;
	s18 =	simm.s32 $0x100;
	s19 =	simm.s32 $0x3  }
0x7: {  	s20 =	simm.s32 $0x50;
	s21 =	simm.s32 $0x180;
	s22 =	simm.s32 $0x4  }
0x8: {  	s9 =	smul.u32 $0x14000, s1;
	s10 =	sand.u32 $0x1, s5;
	[smem:$0x7FF] =	sst s4  }
0x9: {  	s5 =	sadd.s32 $0x16400, s8;
	s6 =	sadd.s32 $0xC600, s8;
	s7 =	sadd.s32 $0x2800, s8  }
0xa: {  	s13 =	smul.u32 $0x50000, s1;
	s29 =	sshll.u32 s1, $0x1;
	s31 =	sshll.u32 s1, $0x6  }
0xb: {  	s11 =	smul.u32 $0x140000, s10;
	_ =	strace $0x8000004A;
	s26 =	ssub.s32 $0x2, s10  }
0xc: {  	s10 =	sor.u32 s10, s29;
	s12 =	sshrl.u32 s9, $0x3;
	s28 =	sshrl.u32 s26, $0x1  }
0xd: {  	s30 =	sshrl.u32 s13, $0x2;
	s10 =	smul.u32 $0x2710, s10;
	s9 =	sadd.s32 s9, s11  }
0xe: {  	s12 =	sadd.s32 s12, s8;
	s13 =	sadd.s32 s30, s3;
	s9 =	sshrl.u32 s9, $0x3  }
0xf: {  	s15 =	ssub.s32 s26, s28;
	s13 =	sshrl.u32 s13, $0x3;
	s14 =	sadd.s32 s9, s8  }
0x10: {  	s8 =	sadd.s32 $0x3D600, s12;
	s9 =	sor.u32 $0x1C05, s31;
	s12 =	smax.u32 s15, $0x1  }
0x11: {  	s15 =	simm.s32 $0x1;
	s11 =	sadd.s32 $0x65600, s14;
	s14 =	simm.s32 $0x5  }
.LBB2_1:
0x12: {  	[spmem:s13], [sflag:s9] =	dma.local [hbm:s8], $0x2800  }
0x13: {  	_ =	swait.ge [sflag:s14], $0x2800  }
0x14: {  	[sflag:s14] =	ssyncset.done $0x0  }
0x15: {  	[sflag:s14] =	ssyncadd.s32 $0xFFFFD800  }
0x16: {  	s23 =	simm.s32 $0x0;
	[bflag:$0x0] =	sbarrier.arrive $0xFFFF  }
.LBB2_2:
0x17: {  	s24 =	smul.u32 $0x50, s23;
	_ =	sdelay $0x1  }
0x18: {  	s24 =	sadd.s32 s10, s24  }
0x19: {  	s24 =	sshrl.u32 s24, $0x3  }
0x1a: {  	s26 =	simm.s32 $0x0;
	s25 =	sadd.s32 s6, s24  }
0x1b: {  	[tilespmem:s26], [sflag:$0x1] =	stream.linear.gather [hbm4b:s25+s26], $0x50, $0x38;
	[tilespmem:$0x16980] =	vst v63  }
0x1c: {  	_ =	swait.ge [sflag:s15], $0x50  }
0x1d: {  	[sflag:s15] =	ssyncset.done $0x0  }
0x1e: {  	s31 =	sadd.s32 s7, s24;
	[sflag:s15] =	ssyncadd.s32 $0xFFFFFFB0  }
0x1f: {  	[tilespmem:s16], [sflag:$0x2] =	stream.linear.gather [hbm4b:s31+s26], $0x50, $0x38;
	[tilespmem:$0x16980] =	vst v63  }
0x20: {  	_ =	swait.ge [sflag:s17], $0x50  }
0x21: {  	[sflag:s17] =	ssyncset.done $0x0  }
0x22: {  	s24 =	sadd.s32 s2, s24;
	[sflag:s17] =	ssyncadd.s32 $0xFFFFFFB0  }
0x23: {  	[tilespmem:s18], [sflag:$0x3] =	stream.linear.gather [hbm4b:s24+s26], $0x50, $0x38;
	[tilespmem:$0x16980] =	vst v63  }
0x24: {  	_ =	swait.ge [sflag:s19], $0x50  }
0x25: {  	[sflag:s19] =	ssyncset.done $0x0  }
0x26: {  	[sflag:s19] =	ssyncadd.s32 $0xFFFFFFB0  }
0x27: {  	[tilespmem:s21], [sflag:$0x4] =	stream.indirect.gather [hbm4b:s5+s20], $0x80, s26, s20, $0xb8;
	[tilespmem:$0x16980] =	vst v63  }
0x28: {  	_ =	swait.ge [sflag:s22], $0x2800  }
0x29: {  	v0 =	vmov s26;
	[sflag:s22] =	ssyncset.done $0x0  }
0x2a: {  	s24 =	simm.s32 $0x1C0;
	[sflag:s22] =	ssyncadd.s32 $0xFFFFD800  }
0x2b: {  	v4 =	vld [tilespmem:s24+$0x30]  }
0x2c: {  	v7 =	vld [tilespmem:s24+$0x10]  }
0x2d: {  	v5 =	vld [tilespmem:s24+$0xFFFFFFC0]  }
0x2e: {  	v1 =	vld.idx.msk [tilespmem:v0+s18+$0x0], $0xffff  }
0x2f: {  	v9 =	vld [tilespmem:s24+$0xFFFFFFE0]  }
0x30: {  	v0 =	vld [tilespmem:s24+$0xFFFFFFF0]  }
0x31: {  	v2 =	vld [tilespmem:s24+$0x20]  }
0x32: {  	v3 =	vld [tilespmem:s24+$0xFFFFFFD0]  }
0x33: {  	v8 =	vmul.f32 v4, v1;
	v4 =	vld [tilespmem:s24+$0x0]  }
0x34: {  	v6 =	vmul.f32 v5, v1  }
0x35: {  	s25 =	simm.s32 $0x1;
	s26 =	simm.s32 $0x1C0;
	v5 =	vmul.f32 v9, v1;
	v7 =	vmul.f32 v7, v1  }
.LBB2_3:
0x36: {  	p0 =	sne.s32 s25, $0x4F  }
0x37: {  	v3 =	vmul.f32 v3, v1;
	v2 =	vmul.f32 v2, v1;
	[tilespmem:s24+$0x30] =	vst v8;
	s26 =	sadd.s32 $0x80, s26;
	s28 =	smov.u32 s25;
	s25 =	sadd.s32 $0x1, s25  }
0x38: {  	[tilespmem:s24+$0xFFFFFFC0] =	vst v6;
	v6 =	vmul.f32 v0, v1;
	v1 =	vmul.f32 v4, v1  }
0x39: {  	[tilespmem:s24+$0x10] =	vst v7  }
0x3a: {  	v4 =	vmov s28;
	[tilespmem:s24+$0xFFFFFFE0] =	vst v5  }
0x3b: {  	v0 =	vld [tilespmem:s26+$0xFFFFFFF0];
	[tilespmem:s24+$0xFFFFFFF0] =	vst v6  }
0x3c: {  	v5 =	vld [tilespmem:s26+$0x30];
	[tilespmem:s24+$0x0] =	vst v1  }
0x3d: {  	v7 =	vld [tilespmem:s26+$0x10];
	[tilespmem:s24+$0x20] =	vst v2  }
0x3e: {  	v6 =	vld [tilespmem:s26+$0xFFFFFFC0];
	[tilespmem:s24+$0xFFFFFFD0] =	vst v3;
	s24 =	smov.u32 s26  }
0x3f: {  	v1 =	vld.idx.msk [tilespmem:v4+s18+$0x0], $0xffff  }
0x40: {  	v9 =	vld [tilespmem:s26+$0xFFFFFFE0]  }
0x41: {  	v2 =	vld [tilespmem:s26+$0x20]  }
.Ltmp0:
0x42: {  	v3 =	vld [tilespmem:s26+$0xFFFFFFD0];
	(pc) =	sbr.rel @p0 .LBB2_3-.Ltmp0, $3  }
0x43: {  	v4 =	vld [tilespmem:s26+$0x0];
	_ =	sdelay $0x1  }
0x44: {  	v6 =	vmul.f32 v6, v1;
	v8 =	vmul.f32 v5, v1  }
0x45: {  	v7 =	vmul.f32 v7, v1;
	v5 =	vmul.f32 v9, v1  }
0x46: {  	[tilespmem:s24+$0x30] =	vst v8  }
0x47: {  	[tilespmem:s24+$0xFFFFFFC0] =	vst v6  }
0x48: {  	v0 =	vmul.f32 v0, v1;
	[tilespmem:s24+$0x10] =	vst v7  }
0x49: {  	v2 =	vmul.f32 v2, v1;
	[tilespmem:s24+$0xFFFFFFE0] =	vst v5  }
0x4a: {  	v63 =	vmul.f32 v3, v1;
	[tilespmem:s24+$0xFFFFFFF0] =	vst v0  }
0x4b: {  	s23 =	sadd.s32 $0x1, s23;
	v4 =	vmul.f32 v4, v1;
	[tilespmem:s24+$0x20] =	vst v2  }
0x4c: {  	p0 =	sne.s32 s23, $0x7D;
	[tilespmem:s24+$0xFFFFFFD0] =	vst v63  }
.Ltmp1:
0x4d: {  	[tilespmem:s24+$0x0] =	vst v4;
	(pc) =	sbr.rel @p0 .LBB2_2-.Ltmp1, $4  }
0x4e: {  	[spmem:s3] =	stream.indirect.scatter.add.f32 [tilespmem:s21], [sflag:$0x5], $0x80, s16, s20, $0xb8;
	[tilespmem:$0x16980] =	vst v63  }
0x4f: {  	_ =	swait.ge [sflag:s14], $0x2800  }
0x50: {  	[sflag:s14] =	ssyncset.done $0x0  }
0x51: {  	[sflag:s14] =	ssyncadd.s32 $0xFFFFD800  }
0x52: {  	s4 =	sadd.s32 $0x1, s4  }
0x53: {  	p0 =	sne.s32 s4, s12  }
.Ltmp2:
0x54: {  	[bflag:$0x0] =	sbarrier.arrive $0xFFFF;
	(pc) =	sbr.rel @p0 .LBB2_1-.Ltmp2, $4  }
0x55: {  	[hbm:s11], [sflag:s9] =	dma.local [spmem:s13], $0x2800  }
0x56: {  	_ =	swait.ge [sflag:s14], $0x2800  }
0x57: {  	[sflag:s14] =	ssyncset.done $0x0  }
0x58: {  	[sflag:s14] =	ssyncadd.s32 $0xFFFFD800  }
0x59: {  	_ =	sfence.sel $0x180000  }
0x5a: {  	[bflag:$0x0] =	sbarrier.arrive $0xFFFF  }
0x5b: {  	p0 =	sne.s32 s1, $0x0;
	_ =	strace $0x9000004A  }
0x5c: {  	s0 =	sadd.s32 @!p0 $0x100000, s0;
	[bflag:$0x2] =	sbarrier.arrive $0xFFFF  }
0x5d: {  	[sflag:s0] =	ssyncadd.tile.s32 @!p0 $0x1;
	_ =	shalt  }
.Lfunc_end2:
_tile_overlayer_lowered:
.L_overlay_start_2:
0x5e: {  	(tag) =	ssettag $0x2  }
0x5f: {  	s0 =	rddreg [dreg:$0x0];
	s2 =	stileid.u32  }
0x60: {  	s1 =	rddreg [dreg:$0x1];
	p0 =	sne.s32 s2, $0x0  }
0x61: {  	s3 =	rddreg [dreg:$0x2];
	[bflag:$0x3] =	sbarrier.arrive $0xFFFF;
	s2 =	simm.s32 @!p0 $0x1C05  }
0x62: {  	[timem:s3], [sflag:s2] =	dma.local @!p0 [hbm:s0], s1  }
0x63: {  	s0 =	simm.s32 @!p0 $0x5  }
0x64: {  	_ =	swait.ge @!p0 [sflag:s0], s1  }
0x65: {  	s1 =	ssub.s32 @!p0 $0x0, s1;
	[sflag:s0] =	ssyncset.done @!p0 $0x0  }
0x66: {  	[sflag:s0] =	ssyncadd.s32 @!p0 s1  }
0x67: {  	[bflag:$0x3] =	sbarrier.arrive $0xFFFF  }
0x68: {  	_ =	shalt  }

// kernel: scatter_offload_async_start
scs
__scs_entry_jumppad:
0x0: {  	(pc) =	sbr.rel $0x88, $3  }
0x1: {  	(tag) =	ssettag $0x0;
	lr =	simm.s32 $0x1  }
0x2: {  	[smem:$0x3F8D] =	sst lr;
	_ =	strace $0xD0000000  }
0x3: {  	_ = 	snop  }
0x4: {  	_ = 	snop  }
0x5: {  	_ = 	snop  }
0x6: {  	_ = 	snop  }
0x7: {  	_ = 	snop  }
__scs_overlays_trampoline_lowered:
0x8: {  	[smem:$0x3F9C] =	sst s0  }
0x9: {  	[smem:$0x3F9D] =	sst s1  }
0xa: {  	[smem:$0x3F9E] =	sst s2  }
0xb: {  	[smem:$0x3F9F] =	sst s3  }
0xc: {  	[smem:$0x3FA0] =	sst s4  }
0xd: {  	[smem:$0x3FA1] =	sst s5  }
0xe: {  	[smem:$0x3FA2] =	sst s6  }
0xf: {  	[smem:$0x3FA3] =	sst s7  }
0x10: {  	[smem:$0x3FA4] =	sst s8  }
0x11: {  	[smem:$0x3FA5] =	sst s9;
	s0 =	simm.s32 @!p0 $0x0  }
0x12: {  	s1 =	sld [smem:$0x3F8B];
	s0 =	simm.s32 @p0 $0x1  }
0x13: {  	[smem:$0x3FA6] =	sst s0;
	s0 =	simm.s32 @!p1 $0x0  }
0x14: {  	s2 =	sld [smem:$0x3F8A];
	s0 =	simm.s32 @p1 $0x1  }
0x15: {  	[smem:$0x3FA7] =	sst s0;
	s0 =	simm.s32 @!p2 $0x0  }
0x16: {  	s3 =	sld [smem:$0x3FDB];
	s0 =	simm.s32 @p2 $0x1  }
0x17: {  	s4 =	simm.s32 $0x1BF5;
	[smem:$0x3FA9] =	sst s0  }
0x18: {  	s0 =	sld [smem:$0x3F8C];
	_ =	swait.ge [sflag:s4], $0x0  }
0x19: {  	s7 =	sld [smem:$0x3F8D]  }
0x1a: {  	s8 =	sadd.s32 $0xFFFFE003, lr  }
0x1b: {  	s9 =	sadd.s32 $0xFFFFFEF7, lr;
	s5 =	simm.s32 $0xFFFFFFFF;
	p2 =	slt.u32 s8, $0xFFFFF086  }
0x1c: {  	p1 =	slt.u32 s9, $0xF7A;
	s5 =	simm.s32 @!p2 $0x0  }
0x1d: {  	s5 =	simm.s32 @p1 $0x1;
	p0 =	seq.s32 s7, s2  }
0x1e: {  	s7 =	smul.u32 @!p0 $0xF7A, s2;
	p2 =	seq.s32 @!p0 s5, $0x0  }
0x1f: {  	s9 =	smul.u32 $0xF7A, s1;
	s8 =	simm.s32 @!p0 $0x1BF5;
	p2 =	por !p2, p0  }
0x20: {  	[sflag:s8] =	ssyncset.s32 @!p0 $0xFFFFF086;
	s6 =	sadd.s32 @!p0 s3, s7;
	s7 =	simm.s32 @!p0 $0x108  }
0x21: {  	s3 =	sadd.s32 s3, s9;
	s6 =	sadd.s32 @!p0 $0x88, s6;
	s7 =	simm.s32 @p2 $0x1082  }
0x22: {  	[simem:s7], [sflag:s8] =	dma.local @!p0 [hbm:s6], $0xF7A  }
0x23: {  	s9 =	sor.u32 $0xD0000000, s2;
	s6 =	simm.s32 $0x108;
	_ =	swait.ge @!p0 [sflag:s8], $0x0  }
0x24: {  	s3 =	sadd.s32 $0x88, s3;
	s6 =	simm.s32 @!p1 $0x1082;
	[sflag:s4] =	ssyncset.s32 $0xFFFFF086  }
0x25: {  	[simem:s6], [sflag:s4] =	dma.local [hbm:s3], $0xF7A  }
0x26: {  	[smem:$0x3F8D] =	sst s1;
	(tag) =	ssettag s2;
	_ =	strace s9  }
0x27: {  	s1 =	sld [smem:$0x3F9D]  }
0x28: {  	s2 =	sld [smem:$0x3F9E]  }
0x29: {  	s4 =	sld [smem:$0x3FA0]  }
0x2a: {  	p0 =	seq.s32 s5, $0x0;
	s5 =	sld [smem:$0x3FA1]  }
0x2b: {  	s6 =	sld [smem:$0x3FA2]  }
0x2c: {  	s7 =	sld [smem:$0x3FA3]  }
0x2d: {  	s3 =	simm.s32 $0x108;
	s8 =	sld [smem:$0x3FA4]  }
0x2e: {  	s3 =	simm.s32 @!p0 $0x1082;
	s9 =	sld [smem:$0x3FA5]  }
0x2f: {  	lr =	sadd.s32 s0, s3;
	s0 =	sld [smem:$0x3F9C]  }
0x30: {  	s3 =	sld [smem:$0x3F9F]  }
0x31: {  	[smem:$0x3FA8] =	sst s10  }
0x32: {  	s10 =	sld [smem:$0x3FA6];
	_ =	sdelay $0x3  }
0x33: {  	p0 =	seq.s32 s10, $0x1;
	s10 =	sld [smem:$0x3FA8];
	_ =	sdelay $0x3  }
0x34: {  	[smem:$0x3FA8] =	sst s10  }
0x35: {  	s10 =	sld [smem:$0x3FA7];
	_ =	sdelay $0x3  }
0x36: {  	p1 =	seq.s32 s10, $0x1;
	s10 =	sld [smem:$0x3FA8];
	_ =	sdelay $0x3  }
0x37: {  	[smem:$0x3FA8] =	sst s10  }
0x38: {  	s10 =	sld [smem:$0x3FA9]  }
0x39: {  	_ = 	snop;
	(pc) =	sbr.ind lr, $3  }
0x3a: {  	_ = 	snop  }
0x3b: {  	_ = 	snop  }
0x3c: {  	p2 =	seq.s32 s10, $0x1;
	s10 =	sld [smem:$0x3FA8]  }
0x3d: {  	_ =	shalt  }
0x3e: {  	_ =	shalt  }
0x3f: {  	_ =	shalt  }
0x40: {  	_ =	shalt  }
0x41: {  	_ =	shalt  }
0x42: {  	_ =	shalt  }
0x43: {  	_ =	shalt  }
0x44: {  	_ =	shalt  }
0x45: {  	_ =	shalt  }
0x46: {  	_ =	shalt  }
0x47: {  	_ =	shalt  }
0x48: {  	_ =	shalt  }
0x49: {  	_ =	shalt  }
0x4a: {  	_ =	shalt  }
0x4b: {  	_ =	shalt  }
0x4c: {  	_ =	shalt  }
0x4d: {  	_ =	shalt  }
0x4e: {  	_ =	shalt  }
0x4f: {  	_ =	shalt  }
0x50: {  	_ =	shalt  }
0x51: {  	_ =	shalt  }
0x52: {  	_ =	shalt  }
0x53: {  	_ =	shalt  }
0x54: {  	_ =	shalt  }
0x55: {  	_ =	shalt  }
0x56: {  	_ =	shalt  }
0x57: {  	_ =	shalt  }
0x58: {  	_ =	shalt  }
0x59: {  	_ =	shalt  }
0x5a: {  	_ =	shalt  }
0x5b: {  	_ =	shalt  }
0x5c: {  	_ =	shalt  }
0x5d: {  	_ =	shalt  }
0x5e: {  	_ =	shalt  }
0x5f: {  	_ =	shalt  }
0x60: {  	_ =	shalt  }
0x61: {  	_ =	shalt  }
0x62: {  	_ =	shalt  }
0x63: {  	_ =	shalt  }
0x64: {  	_ =	shalt  }
0x65: {  	_ =	shalt  }
0x66: {  	_ =	shalt  }
0x67: {  	_ =	shalt  }
0x68: {  	_ =	shalt  }
0x69: {  	_ =	shalt  }
0x6a: {  	_ =	shalt  }
0x6b: {  	_ =	shalt  }
0x6c: {  	_ =	shalt  }
0x6d: {  	_ =	shalt  }
0x6e: {  	_ =	shalt  }
0x6f: {  	_ =	shalt  }
0x70: {  	_ =	shalt  }
0x71: {  	_ =	shalt  }
0x72: {  	_ =	shalt  }
0x73: {  	_ =	shalt  }
0x74: {  	_ =	shalt  }
0x75: {  	_ =	shalt  }
0x76: {  	_ =	shalt  }
0x77: {  	_ =	shalt  }
0x78: {  	_ =	shalt  }
0x79: {  	_ =	shalt  }
0x7a: {  	_ =	shalt  }
0x7b: {  	_ =	shalt  }
0x7c: {  	_ =	shalt  }
0x7d: {  	_ =	shalt  }
0x7e: {  	_ =	shalt  }
0x7f: {  	_ =	shalt  }
0x80: {  	_ =	shalt  }
0x81: {  	_ =	shalt  }
0x82: {  	_ =	shalt  }
0x83: {  	_ =	shalt  }
0x84: {  	_ =	shalt  }
0x85: {  	_ =	shalt  }
0x86: {  	_ =	shalt  }
0x87: {  	_ =	shalt  }
.Lfunc_end0:
.L_simem_size_0:
called_computation_lowered:
.L_overlay_start_0:
0x88: {  	s0 =	sld [smem:$0x3FD9]  }
0x89: {  	s1 =	sld [smem:$0x3FFE];
	_ =	sdelay $0x3  }
0x8a: {  	s0 =	sadd.s32 s1, s0  }
0x8b: {  	[smem:$0x3FB4] =	sst s0  }
0x8c: {  	_ = 	snop  }
0x8d: {  	(tm) =	ssettm $0x1  }
0x8e: {  	s15 =	sld [smem:$0x3FFB];
	_ =	sdelay $0x3  }
0x8f: {  	_ =	strace s15  }
0x90: {  	s0 =	sld [smem:$0x3FFC];
	_ =	sdelay $0x3  }
0x91: {  	_ =	strace s0  }
0x92: {  	s0 =	sld [smem:$0x3FFD];
	_ =	sdelay $0x3  }
0x93: {  	_ =	strace s0  }
0x94: {  	_ =	strace $0x8FFFFFFF  }
0x95: {  	s16 =	sld [smem:$0x3FDB];
	_ =	sdelay $0x1  }
0x96: {  	s17 =	simm.s32 $_scs_section_size  }
0x97: {  	s2 =	simm.s32 $_size__tile_overlayer_lowered;
	s3 =	simm.s32 $_tile_overlayer_lowered  }
0x98: {  	s20 =	simm.s32 $0x1BFF;
	s19 =	sshll.u32 s3, $0x1;
	s0 =	sadd.s32 s17, s16  }
0x99: {  	s4 =	simm.s32 $0x0;
	s18 =	sshll.u32 s2, $0x1;
	s2 =	sadd.s32 s19, s0  }
0x9a: {  	[timem:s4], [sflag:s20] =	dma.local [hbm:s2], s18  }
0x9b: {  	_ =	swait.ge [sflag:s20], s18  }
0x9c: {  	s1 =	ssub.s32 $0x0, s18;
	[sflag:s20] =	ssyncset.done $0x0  }
0x9d: {  	[sflag:s20] =	ssyncadd.s32 s1;
	_ =	sdelay $0x1  }
0x9e: {  	s21 =	simm.s32 $0x1B8B  }
0x9f: {  	_ =	swait.ge [sflag:s21], $0x1  }
0xa0: {  	[sflag:s21] =	ssyncset.done $0x0  }
0xa1: {  	s23 =	simm.s32 $0x1B8E;
	s22 =	sld [smem:$0x3FFE];
	[sflag:s21] =	ssyncadd.s32 $0xFFFFFFFF  }
0xa2: {  	s24 =	simm.s32 $execute0_lowered;
	[smem:$0x3FD2] =	sst s23  }
0xa3: {  	s2 =	sshll.u32 s24, $0x1;
	_ =	strace $0x80000046;
	[dreg:$0x1] =	wrdreg $0xFFFFFFFF  }
0xa4: {  	s25 =	simm.s32 $_size_execute0_lowered;
	s0 =	sadd.s32 s0, s2;
	[dreg:$0x0] =	wrdreg $0x0  }
0xa5: {  	s2 =	sshll.u32 s25, $0x1;
	[dreg:$0x2] =	wrdreg s0  }
0xa6: {  	[dreg:$0x3] =	wrdreg s2  }
0xa7: {  	[dreg:$0x4] =	wrdreg $0xC0  }
0xa8: {  	_ =	task [dreg:s4], $0x5FFFF  }
0xa9: {  	[dreg:$0x1] =	wrdreg $0xFFFFFFFF  }
0xaa: {  	[dreg:$0x0] =	wrdreg $0x60  }
0xab: {  	[dreg:$0x2] =	wrdreg s22  }
0xac: {  	[dreg:$0x3] =	wrdreg $0x9  }
0xad: {  	_ =	task.clear_ibuf [dreg:s4], $0x4FFFF;
	_ =	strace $0x90000046  }
0xae: {  	s26 =	simm.s32 $0x9;
	_ =	strace $0x80000048  }
0xaf: {  	_ =	swait.ge [sflag:s26], $0x1  }
0xb0: {  	[sflag:s26] =	ssyncadd.s32 $0xFFFFFFFF  }
0xb1: {  	_ =	strace $0x90000048  }
0xb2: {  	_ =	sfence  }
0xb3: {  	s28 =	sld [smem:$0x0];
	_ =	sdelay $0x1  }
0xb4: {  	s29 =	srdreg.scid  }
0xb5: {  	s30 =	sshll.u32 s29, $0xD;
	s31 =	sshrl.u32 s29, $0x2  }
0xb6: {  	s1 =	sand.u32 $0x1, s29;
	s2 =	sand.u32 $0x4000, s30;
	s0 =	sadd.s32 s31, s28  }
0xb7: {  	s1 =	sor.u32 s2, s1;
	s0 =	sshll.u32 s0, $0x11  }
0xb8: {  	s0 =	sor.u32 s0, s1  }
0xb9: {  	s0 =	sadd.s32 $0x8F2B, s0  }
0xba: {  	[sflag:s0] =	ssyncadd.remote.s32 $0x1  }
0xbb: {  	_ =	sfence.sel $0xFFFF  }
0xbc: {  	[dreg:$0x0] =	wrdreg $0xFFFFFFFF;
	(pc) =	sbr.abs _section_cstart, $3  }
0xbd: {  	[dreg:$0x1] =	wrdreg $0xFFFFFFFF  }
0xbe: {  	_ =	task.clear_ibuf [dreg:s4], $0x2FFFF;
	_ =	strace $0x9FFFFFFF  }
0xbf: {  	(tm) =	ssettm $0x7FFFFFFF  }
tec
execute0_lowered:
.L_overlay_start_1:
0x0: {  	(tag) =	ssettag $0x1  }
0x1: {  	s0 =	rddreg [dreg:$0x0];
	_ =	strace $0x80000047;
	s15 =	stileid.u32  }
0x2: {  	s2 =	simm.s32 $0x1;
	s1 =	smin.u32 s15, $0x8;
	s3 =	sshll.u32 s15, $0x1  }
0x3: {  	v1 =	vimm.s32 $0xFFFFFFFF;
	[sflag:s2] =	ssyncpa.u1 $0x0;
	s1 =	sadd.s32 s1, s3  }
0x4: {  	p0 =	slt.u32 s15, $0x8;
	[tilespmem:$0x10] =	vst v1;
	s4 =	smul.u32 $0x1F40, s1;
	s1 =	simm.s32 $0x5DC0  }
0x5: {  	v0 =	vimm.f32 $0.0e+00;
	[tilespmem:$0x20] =	vst v1;
	s1 =	simm.s32 @!p0 $0x3E80  }
0x6: {  	[tilespmem:$0x30] =	vst v0;
	s1 =	sadd.s32 s1, s4  }
0x7: {  	[tilespmem:$0x40] =	vst v0;
	s5 =	smin.u32 s1, $0x4E200  }
0x8: {  	s7 =	simm.s32 $0x2;
	s8 =	simm.s32 $0x8;
	[tilespmem:$0x50] =	vst v0;
	s9 =	ssub.s32 s5, s4  }
0x9: {  	s31 =	simm.s32 $0x9;
	s16 =	simm.s32 $0x0;
	[tilespmem:$0x60] =	vst v1;
	p0 =	sgt.s32 s9, $0x0  }
0xa: {  	s17 =	simm.s32 $0xF0;
	s18 =	simm.s32 $0xFFFFFFFF;
	[tilespmem:$0x70] =	vst v1;
	s9 =	simm.s32 @!p0 $0x0  }
0xb: {  	s19 =	simm.s32 $0xFFFFC280;
	s20 =	simm.s32 $0xFFFFFFFE;
	[tilespmem:$0x80] =	vst v1;
	s30 =	smulhi.u32 $0x10624DD3, s9  }
0xc: {  	s21 =	simm.s32 $0xF;
	s25 =	simm.s32 $0x0;
	s24 =	simm.s32 $0x0;
	v1 =	vimm.s32 $0x0;
	[tilespmem:$0xB0] =	vst v0  }
0xd: {  	s6 =	sadd.s32 $0x16400, s0;
	s15 =	sshllo.u32 s15, $0x1;
	[tilespmem:$0x90] =	vst v1;
	s10 =	sshrl.u32 s30, $0x9  }
0xe: {  	[tilespmem:$0xA0] =	vst v1;
	[sflag:s7] =	ssyncpa.u1 $0x0;
	s7 =	simm.s32 $0x7;
	s11 =	smul.u32 $0x1F40, s10  }
.Ltmp0:
0xf: {  	s13 =	sor.u32 $0x80, s3;
	[sflag:s7] =	ssyncpa.u1 $0x0;
	(pc) =	sbr.rel .LBB2_1-.Ltmp0, $4  }
0x10: {  	s14 =	sor.u32 $0x81, s3;
	[sflag:s8] =	ssyncpa.u1 $0x0;
	p0 =	sne.s32 s9, s11  }
0x11: {  	s23 =	smov.u32 s4;
	s1 =	sadd.s32 $0x2A000, s0;
	s2 =	simm.s32 @!p0 $0x0  }
0x12: {  	vm0 =	vmmov $0xffff;
	v2 =	vlaneseq.u32;
	[sflag:s31] =	ssyncpa.u1 $0x0;
	s9 =	sadd.s32 $0x20200, s0;
	s10 =	sadd.s32 s2, s10  }
0x13: {  	vm1 =	vmxor vm1, vm1;
	vm2 =	vmmov $0x1;
	vm3 =	vcmask $0x3F3C;
	p0 =	por $0x0, $0x0;
	s11 =	sadd.s32 $0x1, s10;
	s12 =	sadd.s32 $0x2, s10  }
.LBB2_9:
0x14: {  	p1 =	slt.u32 s24, $0x3  }
0x15: {  	s0 =	simm.s32 @!p1 $0x2  }
0x16: {  	_ =	swait.ge @!p1 [sflag:s0], $0x1F40  }
0x17: {  	[sflag:s0] =	ssyncset.done @!p1 $0x0  }
0x18: {  	[sflag:s0] =	ssyncadd.s32 @!p1 $0xFFFFE0C0;
	s0 =	simm.s32 @!p1 $0x9  }
0x19: {  	_ =	swait.ge @!p1 [sflag:s0], $0x10  }
0x1a: {  	[sflag:s0] =	ssyncset.done @!p1 $0x0  }
0x1b: {  	[sflag:s0] =	ssyncadd.s32 @!p1 $0xFFFFFFF0;
	p1 =	sne.s32 s24, s12  }
.Ltmp1:
0x1c: {  	s2 =	sadd.s32 $0x1F40, s23;
	(pc) =	sbr.rel @!p1 .LBB2_10-.Ltmp1, $4  }
0x1d: {  	s22 =	smov.u32 s4;
	s31 =	sadd.s32 $0x1, s24;
	s17 =	sadd.s32 $0x1F40, s17  }
0x1e: {  	s18 =	sadd.s32 $0x1, s18;
	s25 =	smov.u32 s23;
	p2 =	slt.s32 s2, s5  }
0x1f: {  	p0 =	por !p0, !p0;
	s19 =	sadd.s32 $0x1F40, s19;
	s22 =	smov.u32 @p2 s2  }
0x20: {  	s20 =	sadd.s32 $0x1, s20;
	s23 =	smov.u32 s22;
	s24 =	smov.u32 s31  }
.LBB2_1:
0x21: {  	p1 =	sge.u32 s24, s10  }
0x22: {  	s0 =	smulhi.u32 @!p1 $0xAAAAAAAB, s24;
	_ =	sdelay $0x1  }
0x23: {  	s0 =	sshrl.u32 @!p1 s0, $0x1  }
0x24: {  	s0 =	smul.u32 @!p1 $0x3, s0;
	_ =	sdelay $0x1  }
0x25: {  	s0 =	ssub.s32 @!p1 s24, s0  }
0x26: {  	s0 =	smul.u32 @!p1 $0x7D00, s0;
	_ =	sdelay $0x1  }
0x27: {  	s2 =	sshrl.u32 @!p1 s23, $0x3;
	s0 =	sshrl.u32 @!p1 s0, $0x2  }
0x28: {  	s22 =	sand.u32 @!p1 $0x7, s23;
	s2 =	sadd.s32 @!p1 s6, s2;
	s0 =	sadd.s32 @!p1 $0x100, s0  }
0x29: {  	[tilespmem:s0], [sflag:$0x7] =	stream.linear.gather @!p1 [hbm4b:s2+s22], $0x1F40, $0x38;
	[tilespmem:$0x11A60] =	vst v63  }
0x2a: {  	s0 =	sadd.s32 $0xFFFFFFFF, s24  }
0x2b: {  	p1 =	sge.u32 s0, s10  }
.Ltmp2:
0x2c: {  	_ = 	snop;
	(pc) =	sbr.rel @p1 .LBB2_5-.Ltmp2, $1  }
0x2d: {  	_ =	sdelay $0x3  }
0x2e: {  	s2 =	smulhi.u32 $0xAAAAAAAB, s0;
	_ =	sdelay $0x1  }
0x2f: {  	s2 =	sshrl.u32 s2, $0x1  }
0x30: {  	s2 =	smul.u32 $0x3, s2;
	_ =	sdelay $0x1  }
0x31: {  	s2 =	ssub.s32 s0, s2  }
0x32: {  	s2 =	smul.u32 $0x7D00, s2  }
0x33: {  	_ =	swait.ge [sflag:s7], $0x1F40  }
0x34: {  	[sflag:s7] =	ssyncset.done $0x0;
	s2 =	sshrl.u32 s2, $0x2  }
0x35: {  	[sflag:s7] =	ssyncadd.s32 $0xFFFFE0C0;
	(ifvalue) =	ssetifvalue $0xFFFFFFFF;
	v3 =	vld.msk [tilespmem:s2+$0x100 ss:$0x1], $0xffff;
	_ =	sdelay $0x2  }
0x36: {  	s30 =	smulhi.u32 $0xAAAAAAAB, s18;
	p1 =	sne.s32 s24, $0x1  }
0x37: {  	v4 =	vimm.s32 @!p1 $0x0  }
0x38: {  	s2 =	sshrl.u32 s30, $0x1;
	v4 =	vperm.xlane @!p1 v3, v4  }
0x39: {  	s22 =	sshll.u32 s24, $0x4;
	s2 =	smul.u32 $0xFFFE8900, s2;
	vm4 =	vlt.u32 v3, $0x2800  }
0x3a: {  	s22 =	sand.u32 $0x10, s22;
	v3 =	vnsel vm4, $0xFFFFFFFE, v3;
	vm4 =	vlt.u32 @!p1 v4, $0x2800  }
0x3b: {  	s2 =	sshra.s32 s2, $0x2;
	[tilespmem:s22+$0x60] =	vst v3;
	v3 =	vnsel @!p1 vm4, $0xFFFFFFFE, v4  }
0x3c: {  	s28 =	sadd.s32 s2, s17;
	[tilespmem:$0x80] =	vst @!p1 v3  }
0x3d: {  	v3 =	vld.msk [tilespmem:s28+$0x0 ss:$0x1], $0xffff;
	_ =	sdelay $0x4  }
0x3e: {  	(xrf1) =	vunique.msk.u32 $0xffff, v3;
	_ =	sdelay $0xd  }
0x3f: {  	v4 =	vimm.s32 $0xFFFFFFFF;
	v5, _, _ =	vpop (xrf1)  }
0x40: {  	vm5 =	vne.s32 v3, v4;
	vm4 =	veq.s32 v5, v2  }
0x41: {  	vm6 =	vlt.u32 v3, $0x2800;
	vm4 =	vmand vm5, vm4  }
0x42: {  	vm4 =	vmand vm6, vm4  }
0x43: {  	v4 =	vnsel vm4, $0xFFFFFFFF, v3  }
0x44: {  	s31 =	sand.u32 $0x1, s0  }
0x45: {  	s0 =	simm.s32 $0x1F40;
	p1 =	seq.s32 s31, $0x1  }
0x46: {  	s0 =	simm.s32 @!p1 $0x0  }
0x47: {  	s26 =	sadd.s32 $0x7DF0, s0;
	(ifvalue) =	ssetifvalue $0xFFFFFFFF  }
0x48: {  	v3 =	vperm.xlane v3, v1;
	[tilespmem:s26], [sflag:$0x8] =	stream.indirect_vreg.gather [hbm4b:s1+s16], $0x1, v4, vm0, $0x4038;
	v4 =	vnsel vm6, $0xFFFFFFFE, v4;
	[tilespmem:$0x11A60] =	vst v63  }
0x49: {  	s2 =	simm.s32 $0x0;
	s22 =	sadd.s32 $0xFFFFFFF0, s28;
	[tilespmem:s28+$0x0] =	vst v4  }
.LBB2_3:
0x4a: {  	v4 =	vld.msk [tilespmem:s22+$0x0 ss:$0x1], $0xffff;
	s2 =	sadd.s32 $0x10, s2;
	v5 =	vmov v3;
	s28 =	smov.u32 s22  }
0x4b: {  	p1 =	slt.u32 s2, $0x1F30;
	_ =	sdelay $0x4  }
0x4c: {  	v3 =	vperm.xlane v4, v1;
	(xrf1) =	vunique.msk.u32 $0xffff, v4;
	_ =	sdelay $0xd  }
0x4d: {  	v6, _, _ =	vpop (xrf1)  }
0x4e: {  	vm5 =	vne.s32 v4, v5;
	vm4 =	veq.s32 v6, v2  }
0x4f: {  	vm6 =	vlt.u32 v4, $0x2800;
	vm4 =	vmand vm5, vm4  }
0x50: {  	vm4 =	vmand vm6, vm4  }
0x51: {  	v4 =	vnsel vm4, $0xFFFFFFFF, v4  }
.Ltmp3:
0x52: {  	v5 =	vnsel vm6, $0xFFFFFFFE, v4;
	(pc) =	sbr.rel @p1 .LBB2_3-.Ltmp3, $3  }
0x53: {  	_ =	sdelay $0x1  }
0x54: {  	s22 =	sadd.s32 $0xFFFFFFF0, s22;
	s26 =	sadd.s32 $0xFFFFFFF0, s26;
	(ifvalue) =	ssetifvalue $0xFFFFFFFF  }
0x55: {  	[tilespmem:s26], [sflag:$0x8] =	stream.indirect_vreg.gather [hbm4b:s1+s16], $0x1, v4, vm0, $0x4038;
	[tilespmem:s28+$0x0] =	vst v5  }
0x56: {  	s2 =	sshrl.u32 s25, $0x3  }
0x57: {  	s0 =	sadd.s32 $0x9D40, s0;
	s2 =	sadd.s32 s9, s2  }
0x58: {  	[tilespmem:s0], [sflag:$0x8] =	stream.linear.gather [hbm:s2], $0x1F40, $0x38;
	[tilespmem:$0x11A60] =	vst v63  }
.LBB2_5:
0x59: {  	p1 =	slt.u32 s24, $0x2  }
0x5a: {  	p2 =	sge.u32 @!p1 s24, s12  }
0x5b: {  	p1 =	por p1, p2  }
.Ltmp4:
0x5c: {  	_ = 	snop;
	(pc) =	sbr.rel @p1 .LBB2_9-.Ltmp4, $1  }
0x5d: {  	_ =	sdelay $0x3  }
0x5e: {  	s0 =	sadd.s32 $0xFFFFFFFE, s24  }
0x5f: {  	s2 =	smulhi.u32 $0xAAAAAAAB, s0;
	_ =	sdelay $0x1  }
0x60: {  	s2 =	sshrl.u32 s2, $0x1  }
0x61: {  	s2 =	smul.u32 $0x3, s2;
	_ =	sdelay $0x1  }
0x62: {  	s0 =	ssub.s32 s0, s2  }
0x63: {  	_ =	swait.ge [sflag:s8], $0x3E80;
	s0 =	smul.u32 $0x1F40, s0  }
0x64: {  	p1 =	sne.s32 s24, s11;
	[sflag:s8] =	ssyncset.done $0x0  }
0x65: {  	[sflag:s8] =	ssyncadd.s32 $0xFFFFC180;
	s2 =	sadd.s32 @!p1 $0x203F, s0  }
0x66: {  	[spmem:s14] =	stream.linear.scatter @!p1 [tilespmem:s2], [sflag:$0x1], $0x1, $0x38;
	[tilespmem:$0x11A60] =	vst v63  }
0x67: {  	s2 =	simm.s32 @!p1 $0x1  }
0x68: {  	_ =	swait.ge @!p1 [sflag:s2], $0x1  }
0x69: {  	s22 =	sshll.u32 s24, $0x4;
	[sflag:s2] =	ssyncset.done @!p1 $0x0  }
0x6a: {  	s25 =	sand.u32 $0x10, s22;
	[sflag:s2] =	ssyncadd.s32 @!p1 $0xFFFFFFFF  }
0x6b: {  	s2 =	sxor.u32 $0x10, s25;
	v4 =	vld [tilespmem:s25+$0x10]  }
0x6c: {  	v5 =	vld [tilespmem:s2+$0x60]  }
0x6d: {  	v3 =	vld [tilespmem:$0x80];
	_ =	sdelay $0x2  }
0x6e: {  	(v2sf) =	vpush v4, $0x0  }
0x6f: {  	(v2sf) =	vpush v5, $0x0  }
0x70: {  	(v2sf) =	vpush v3, $0x0;
	_ =	sdelay $0xc  }
0x71: {  	s22 =	spop (v2sf)  }
0x72: {  	s26 =	spop (v2sf)  }
0x73: {  	s28 =	spop (v2sf)  }
0x74: {  	p2 =	seq.s32 s22, s26;
	p3 =	seq.s32 s28, s22  }
0x75: {  	p3 =	por p2, p3  }
0x76: {  	s26 =	sand.u32 $0x1, s24;
	v4 =	vpsel p3, $0xFFFFFFFF, v4  }
0x77: {  	s29 =	smul.u32 $0x1F40, s26;
	[tilespmem:s25+$0x10] =	vst.msk $0x1, v4  }
0x78: {  	v4 =	vld [tilespmem:$0x30]  }
0x79: {  	v5 =	vld [tilespmem:s29+$0x9D40]  }
0x7a: {  	v6 =	vld [tilespmem:s25+$0x40];
	_ =	sdelay $0x3  }
0x7b: {  	vm4 =	vmmov vm1;
	v5 =	vadd.f32 v5, v4  }
0x7c: {  	vm5 =	vmmov vm2;
	vm4 =	vmmov @p2 vm2;
	s22 =	sshll.u32 s26, $0x4;
	v4 =	vadd.f32 v6, v4  }
0x7d: {  	s26 =	sor.u32 $0x11A40, s22;
	vm5 =	vmmov @p3 vm1;
	[tilespmem:s29+$0x9D40] =	vst.msk vm4, v5  }
0x7e: {  	[tilespmem:s26+$0x0] =	vst.msk vm5, v4  }
0x7f: {  	v4 =	vld [tilespmem:s29+$0x7DF0];
	_ =	sdelay $0x3  }
0x80: {  	v5 =	vimm.f32 $0.0e+00  }
0x81: {  	v4 =	vshift.insert v4, v5, s21  }
0x82: {  	s22 =	sor.u32 $0x40, s2  }
0x83: {  	[tilespmem:s22+$0x0] =	vst.msk $0x1, v4  }
0x84: {  	[tilespmem:s29+$0x7DFF] =	vst.msk $0x1, v5  }
0x85: {  	v4 =	vld [tilespmem:s0+$0x2030];
	_ =	sdelay $0x1  }
0x86: {  	s22 =	smulhi.u32 $0xAAAAAAAB, s20;
	s0 =	simm.s32 $0x1  }
0x87: {  	s0 =	simm.s32 @!p0 $0x0  }
0x88: {  	s22 =	sshrl.u32 s22, $0x1;
	s0 =	smul.u32 $0x7D00, s0  }
0x89: {  	s22 =	smul.u32 $0xFFFE8900, s22;
	v4 =	vshift.insert v4, v1, s21  }
0x8a: {  	s0 =	sshrl.u32 s0, $0x2  }
0x8b: {  	s22 =	sshra.s32 s22, $0x2;
	s30 =	sadd.s32 $0x9D40, s0;
	[tilespmem:s2+$0x10] =	vst.msk $0x1, v4  }
0x8c: {  	s22 =	sadd.s32 s22, s19;
	v6 =	vld [tilespmem:s30+$0x0]  }
0x8d: {  	v7 =	vld [tilespmem:s22+$0x0];
	_ =	sdelay $0x3  }
0x8e: {  	v5 =	vadd.f32 v6, v5  }
0x8f: {  	vm4 =	vne.s32 v7, $0xFFFFFFFF  }
0x90: {  	(xrf2) =	vadd.seg.scan.f32 vm4, v5;
	_ =	sdelay $0x3  }
0x91: {  	s31 =	sadd.s32 $0x5EC0, s0;
	v5 =	vperm.xlane v4, v1  }
0x92: {  	v6 =	vld [tilespmem:s31+$0x0]  }
0x93: {  	vm5 =	veq.s32 v7, v3;
	vm6 =	veq.s32 v7, v5  }
0x94: {  	vm7 =	vgt.u32 v7, $0xFFFFFFFD;
	vm6 =	vmor vm6, vm5  }
0x95: {  	vm6 =	vmor vm6, vm7  }
0x96: {  	v9 =	vld [tilespmem:$0xA0];
	v7 =	vsel vm6, $0xFFFFFFFF, v7  }
0x97: {  	v10 =	vld [tilespmem:$0x90];
	v6 =	vsel vm5, $0x0, v6;
	v8, _, _ =	vpop (xrf2)  }
0x98: {  	v6 =	vadd.f32 v8, v6  }
0x99: {  	s0 =	sadd.s32 $0xDBC0, s0  }
0x9a: {  	vm4 =	vmand vm4, vm3;
	[tilespmem:s0+$0x0] =	vst v6;
	(ifvalue) =	ssetifvalue $0xFFFFFFFF  }
0x9b: {  	vm6 =	veq.s32 v9, $0x1;
	[hbm4b:s1+s16] =	stream.indirect_vreg.scatter [tilespmem:s0], [sflag:$0x2], $0x1, v7, vm0, $0x4038;
	v7 =	vsel vm4, $0x0, v8;
	[tilespmem:$0x11A60] =	vst v63  }
0x9c: {  	s2 =	simm.s32 $0x0;
	s22 =	sadd.s32 $0x10, s22;
	vm4 =	vmor vm6, vm5;
	v6 =	vsel vm5, v8, v10;
	v7 =	vshift.insert v7, v0, s21  }
.LBB2_7:
0x9d: {  	v8 =	vld [tilespmem:s22+$0x0];
	s30 =	sadd.s32 $0x10, s30  }
0x9e: {  	s31 =	sadd.s32 $0x10, s31;
	v9 =	vld [tilespmem:s30+$0x0]  }
0x9f: {  	s2 =	sadd.s32 $0x10, s2;
	v10 =	vld [tilespmem:s31+$0x0]  }
0xa0: {  	p2 =	slt.u32 s2, $0x1F30;
	_ =	sdelay $0x2  }
0xa1: {  	v7 =	vadd.f32 v9, v7  }
0xa2: {  	vm5 =	vne.s32 v8, $0xFFFFFFFF  }
0xa3: {  	vm6 =	vmand vm5, vm3;
	(xrf2) =	vadd.seg.scan.f32 vm5, v7;
	_ =	sdelay $0x5  }
0xa4: {  	vm7 =	veq.s32 v8, v5;
	vm5 =	veq.s32 v8, v3  }
0xa5: {  	vm8 =	vgt.u32 v8, $0xFFFFFFFD;
	vm4 =	vmor vm4, vm5;
	vm7 =	vmor vm7, vm5  }
0xa6: {  	vm7 =	vmor vm7, vm8  }
0xa7: {  	v8 =	vsel vm7, $0xFFFFFFFF, v8  }
.Ltmp5:
0xa8: {  	v7 =	vsel vm5, $0x0, v10;
	v9, _, _ =	vpop (xrf2);
	(pc) =	sbr.rel @p2 .LBB2_7-.Ltmp5, $4  }
0xa9: {  	v6 =	vsel vm5, v9, v6;
	v10 =	vadd.f32 v9, v7;
	v7 =	vsel vm6, $0x0, v9  }
0xaa: {  	s0 =	sadd.s32 $0x10, s0;
	v7 =	vshift.insert v7, v0, s21  }
0xab: {  	s22 =	sadd.s32 $0x10, s22;
	[tilespmem:s0+$0x0] =	vst v10;
	(ifvalue) =	ssetifvalue $0xFFFFFFFF  }
0xac: {  	[hbm4b:s1+s16] =	stream.indirect_vreg.scatter [tilespmem:s0], [sflag:$0x2], $0x1, v8, vm0, $0x4038;
	[tilespmem:$0x11A60] =	vst v63  }
0xad: {  	v3 =	vld [tilespmem:s29+$0xFAF0];
	_ =	sdelay $0x4  }
0xae: {  	v3 =	vshift.insert v3, v0, s21  }
0xaf: {  	s0 =	simm.s32 $0x30  }
0xb0: {  	[tilespmem:s0+$0x0] =	vst.msk $0x1, v3  }
0xb1: {  	v3 =	vsel vm4, $0x1, v1;
	[tilespmem:$0x90] =	vst v6  }
0xb2: {  	s0 =	sadd.s32 @!p1 $0xFAFF, s29;
	[tilespmem:$0xA0] =	vst v3  }
0xb3: {  	[spmem:s15] =	stream.linear.scatter @!p1 [tilespmem:s0], [sflag:$0x1], $0x1, $0x38;
	[tilespmem:$0x11A60] =	vst v63  }
0xb4: {  	s0 =	simm.s32 @!p1 $0x1  }
0xb5: {  	v3 =	vmctz.xlane @!p1 vm4;
	_ =	swait.ge @!p1 [sflag:s0], $0x1  }
0xb6: {  	(v2sf) =	vpush @!p1 v4, $0x0  }
0xb7: {  	(v2sf) =	vpush @!p1 v3, $0x0;
	_ =	sdelay $0xd  }
0xb8: {  	s2 =	spop @!p1 (v2sf)  }
0xb9: {  	s22 =	spop @!p1 (v2sf)  }
0xba: {  	p2 =	sne.s32 @!p1 s28, s2;
	p3 =	slt.s32 @!p1 s22, $0xF  }
0xbb: {  	[sflag:s0] =	ssyncset.done @!p1 $0x0;
	p2 =	por p2, p1;
	p3 =	por !p3, p1  }
0xbc: {  	[sflag:s0] =	ssyncadd.s32 @!p1 $0xFFFFFFFF;
	v3 =	vimm.s32 @!p2 $0xFFFFFFFF;
	s22 =	simm.s32 @p3 $0xF  }
0xbd: {  	[tilespmem:$0x80] =	vst @!p2 v3;
	s2 =	sadd.s32 @!p1 $0x90, s22  }
0xbe: {  	[spmem:s3] =	stream.linear.scatter @!p1 [tilespmem:s2], [sflag:$0x1], $0x1, $0x38;
	[tilespmem:$0x11A60] =	vst v63  }
0xbf: {  	_ =	swait.ge @!p1 [sflag:s0], $0x1  }
0xc0: {  	[sflag:s0] =	ssyncset.done @!p1 $0x0  }
0xc1: {  	s2 =	simm.s32 @!p1 $0x80;
	[sflag:s0] =	ssyncadd.s32 @!p1 $0xFFFFFFFF  }
0xc2: {  	[spmem:s13] =	stream.linear.scatter @!p1 [tilespmem:s2], [sflag:$0x1], $0x1, $0x38;
	[tilespmem:$0x11A60] =	vst v63  }
0xc3: {  	_ =	swait.ge @!p1 [sflag:s0], $0x1  }
0xc4: {  	[sflag:s0] =	ssyncset.done @!p1 $0x0  }
0xc5: {  	[sflag:s0] =	ssyncadd.s32 @!p1 $0xFFFFFFFF;
	(ifvalue) =	ssetifvalue $0xFFFFFFFF;
	v3 =	vld [tilespmem:s25+$0x10];
	_ =	sdelay $0x3  }
.Ltmp6:
0xc6: {  	_ = 	snop;
	(pc) =	sbr.rel .LBB2_9-.Ltmp6, $3  }
0xc7: {  	_ =	sdelay $0x1  }
0xc8: {  	(ifvalue) =	ssetifvalue $0xFFFFFFFF  }
0xc9: {  	[hbm4b:s1+s16] =	stream.indirect_vreg.scatter [tilespmem:s26], [sflag:$0x9], $0x1, v3, vm0, $0x4038;
	[tilespmem:$0x11A60] =	vst v63  }
.LBB2_10:
0xca: {  	_ =	sfence.sel $0x180000  }
0xcb: {  	s0 =	simm.s32 $0x7;
	[bflag:$0x0] =	sbarrier.arrive $0xFFFF  }
0xcc: {  	s26 =	simm.s32 $0x8;
	[sflag:s0] =	ssyncpa.u1 $0x1  }
0xcd: {  	s28 =	simm.s32 $0x9;
	[sflag:s26] =	ssyncpa.u1 $0x1  }
0xce: {  	[sflag:s28] =	ssyncpa.u1 $0x1  }
0xcf: {  	_ =	sfence.stream.spmem  }
0xd0: {  	s29 =	simm.s32 $0x3;
	[bflag:$0x0] =	sbarrier.arrive $0xFFFF  }
0xd1: {  	s30 =	simm.s32 $0x4;
	[sflag:s29] =	ssyncpa.u1 $0x1  }
0xd2: {  	s31 =	simm.s32 $0x3C;
	s2 =	stileid.u32;
	[sflag:s30] =	ssyncpa.u1 $0x1  }
0xd3: {  	p0 =	sne.s32 s2, $0x0;
	[sflag:s31] =	ssyncpa.u1 $0x1  }
0xd4: {  	s0 =	simm.s32 @p0 $0x1;
	_ =	sfence @p0  }
0xd5: {  	[sflag:s0] =	ssyncpa.u1 @p0 $0x1;
	s0 =	simm.s32 @p0 $0x2  }
0xd6: {  	[sflag:s0] =	ssyncpa.u1 @p0 $0x1  }
0xd7: {  	_ =	strace @p0 $0x90000047  }
0xd8: {  	[bflag:$0x2] =	sbarrier.arrive @p0 $0xFFFF  }
0xd9: {  	_ =	shalt @p0  }
.LBB2_11:
0xda: {  	_ =	sfence.stream.spmem;
	s0 =	simm.s32 $0x5  }
0xdb: {  	s2 =	simm.s32 $0x80;
	s3 =	simm.s32 $0xC0;
	[sflag:s0] =	ssyncpa.u1 $0x0  }
0xdc: {  	[tilespmem:s3], [sflag:$0x5] =	stream.linear.gather [spmem:s2], $0x20, $0x38;
	[tilespmem:$0x11A60] =	vst v63  }
0xdd: {  	s2 =	simm.s32 $0x0;
	s3 =	simm.s32 $0xE0  }
0xde: {  	[tilespmem:s3], [sflag:$0x5] =	stream.linear.gather [spmem:s2], $0x20, $0x38;
	[tilespmem:$0x11A60] =	vst v63  }
.Ltmp7:
0xdf: {  	_ = 	snop;
	(pc) =	sbr.rel .LBB2_12-.Ltmp7, $4  }
0xe0: {  	_ =	swait.ge [sflag:s0], $0x40  }
0xe1: {  	[sflag:s0] =	ssyncset.done $0x0  }
0xe2: {  	s31 =	simm.s32 $0x6;
	[sflag:s0] =	ssyncadd.s32 $0xFFFFFFC0  }
0xe3: {  	s4 =	simm.s32 $0x0;
	[sflag:s31] =	ssyncpa.u1 $0x0  }
.LBB2_17:
0xe4: {  	p0 =	sgt.u32 s5, $0x27FF  }
0xe5: {  	s0 =	sshrl.u32 @!p0 s5, $0x3  }
0xe6: {  	s5 =	sand.u32 @!p0 $0x7, s5;
	s6 =	simm.s32 @!p0 $0xB0;
	s0 =	sadd.s32 @!p0 s1, s0  }
0xe7: {  	[tilespmem:s6], [sflag:$0x6] =	stream.linear.gather @!p0 [hbm4b:s0+s5], $0x1, $0x38;
	[tilespmem:$0x11A60] =	vst v63  }
0xe8: {  	s0 =	simm.s32 @!p0 $0x6  }
0xe9: {  	_ =	swait.ge @!p0 [sflag:s0], $0x1  }
0xea: {  	[sflag:s0] =	ssyncset.done @!p0 $0x0  }
0xeb: {  	[sflag:s0] =	ssyncadd.s32 @!p0 $0xFFFFFFFF  }
0xec: {  	v2 =	vmov @!p0 s4;
	v1 =	vld.msk @!p0 [tilespmem:$0xB0], $0x1;
	_ =	sdelay $0x3  }
0xed: {  	s0 =	simm.s32 @!p0 $0xE0  }
0xee: {  	[tilespmem:v2+s0+$0x0], v1 =	vst.idx.ret.add.f32.msk @!p0 $0x1, v1  }
0xef: {  	[tilespmem:s2+$0xC0] =	vst.msk $0x1, v0  }
0xf0: {  	v0 =	vld.msk [tilespmem:s4+$0xE0], $0x1;
	_ =	sdelay $0x4  }
0xf1: {  	[tilespmem:s2+$0xE0] =	vst.msk $0x1, v0;
	s2 =	sadd.s32 $0x1, s2  }
.LBB2_19:
0xf2: {  	s4 =	sadd.s32 $0x1, s4  }
0xf3: {  	p0 =	sne.s32 s4, $0x20  }
.Ltmp8:
0xf4: {  	_ = 	snop;
	(pc) =	sbr.rel @!p0 .LBB2_20-.Ltmp8, $1  }
0xf5: {  	_ =	sdelay $0x3  }
.LBB2_12:
0xf6: {  	v0 =	vld.msk [tilespmem:s4+$0xC0], $0x1;
	_ =	sdelay $0x4  }
0xf7: {  	(v2sf) =	vpush v0, $0x0;
	_ =	sdelay $0xe  }
0xf8: {  	s5 =	spop (v2sf)  }
0xf9: {  	p0 =	seq.s32 s5, $0xFFFFFFFF  }
.Ltmp9:
0xfa: {  	_ = 	snop;
	(pc) =	sbr.rel @p0 .LBB2_19-.Ltmp9, $1  }
0xfb: {  	_ =	sdelay $0x3  }
0xfc: {  	p0 =	slt.s32 s2, $0x1  }
.Ltmp10:
0xfd: {  	_ = 	snop;
	(pc) =	sbr.rel @p0 .LBB2_17-.Ltmp10, $1  }
0xfe: {  	_ =	sdelay $0x3  }
0xff: {  	s0 =	simm.s32 $0xC0;
	p0 =	por $0x0, $0x0  }
0x100: {  	v1 =	vld.msk @!p0 [tilespmem:s0+$0x0], $0x1;
	_ =	sdelay $0x4  }
0x101: {  	(v2sf) =	vpush @!p0 v1, $0x0;
	_ =	sdelay $0xd  }
0x102: {  	p2 =	sne.s32 s2, $0x1  }
.Ltmp11:
0x103: {  	s6 =	spop @!p0 (v2sf);
	(pc) =	sbr.rel @!p2 .LBB2_16-.Ltmp11, $4  }
0x104: {  	p1 =	seq.s32 @!p0 s5, s6  }
0x105: {  	s6 =	simm.s32 $0x0;
	p1 =	por !p1, p0  }
0x106: {  	s8 =	simm.s32 $0xFFFFFFFF;
	s6 =	simm.s32 @p1 $0xFFFFFFFF  }
0x107: {  	s7 =	simm.s32 $0x1;
	s6 =	smov.u32 @p0 s8  }
.LBB2_15:
0x108: {  	s8 =	smov.u32 s6;
	p0 =	sne.s32 s6, $0xFFFFFFFF  }
0x109: {  	s0 =	sadd.s32 $0x1, s0;
	s6 =	smov.u32 s7;
	s7 =	sadd.s32 $0x1, s7  }
0x10a: {  	p1 =	sne.s32 s2, s7;
	v1 =	vld.msk @!p0 [tilespmem:s0+$0x0], $0x1;
	_ =	sdelay $0x4  }
0x10b: {  	(v2sf) =	vpush @!p0 v1, $0x0;
	_ =	sdelay $0xe  }
.Ltmp12:
0x10c: {  	s9 =	spop @!p0 (v2sf);
	(pc) =	sbr.rel @p1 .LBB2_15-.Ltmp12, $4  }
0x10d: {  	p2 =	seq.s32 @!p0 s5, s9  }
0x10e: {  	p2 =	por !p2, p0  }
0x10f: {  	s6 =	simm.s32 @p2 $0xFFFFFFFF  }
0x110: {  	s6 =	smov.u32 @p0 s8  }
.LBB2_16:
0x111: {  	p0 =	sne.s32 s6, $0xFFFFFFFF  }
.Ltmp13:
0x112: {  	_ = 	snop;
	(pc) =	sbr.rel @!p0 .LBB2_17-.Ltmp13, $1  }
0x113: {  	_ =	sdelay $0x3  }
0x114: {  	v0 =	vld.msk [tilespmem:s4+$0xE0], $0x1;
	v1 =	vmov s6  }
.Ltmp14:
0x115: {  	_ = 	snop;
	(pc) =	sbr.rel .LBB2_19-.Ltmp14, $2  }
0x116: {  	_ =	sdelay $0x2  }
0x117: {  	[tilespmem:v1+s3+$0x0], v0 =	vst.idx.ret.add.f32.msk $0x1, v0  }
.LBB2_20:
0x118: {  	p0 =	slt.s32 s2, $0x1  }
.Ltmp15:
0x119: {  	_ = 	snop;
	(pc) =	sbr.rel @p0 .LBB2_24-.Ltmp15, $3  }
0x11a: {  	_ =	sdelay $0x1  }
0x11b: {  	s0 =	simm.s32 $0x6  }
0x11c: {  	s3 =	simm.s32 $0x0;
	[sflag:s0] =	ssyncpa.u1 $0x1  }
0x11d: {  	s0 =	simm.s32 $0xC0  }
0x11e: {  	v0 =	vld.msk [tilespmem:s0+$0x0], $0x1;
	_ =	sdelay $0x4  }
0x11f: {  	(v2sf) =	vpush v0, $0x0;
	_ =	sdelay $0xe  }
0x120: {  	s2 =	sadd.s32 $0xFFFFFFFF, s2;
	s4 =	spop (v2sf)  }
0x121: {  	p1 =	sne.s32 s2, $0x0;
	p0 =	sgt.u32 s4, $0x27FF  }
.Ltmp16:
0x122: {  	s5 =	sshrl.u32 @!p0 s4, $0x3;
	(pc) =	sbr.rel @!p1 .LBB2_23-.Ltmp16, $4  }
0x123: {  	s0 =	simm.s32 $0xE0;
	s4 =	sand.u32 @!p0 $0x7, s4;
	s5 =	sadd.s32 @!p0 s1, s5  }
0x124: {  	[hbm4b:s5+s4] =	stream.linear.scatter @!p0 [tilespmem:s0], [sflag:$0x5], $0x1, $0x38;
	[tilespmem:$0x11A60] =	vst v63  }
0x125: {  	s5 =	simm.s32 $0x0  }
0x126: {  	s4 =	simm.s32 $0xC1;
	s5 =	simm.s32 @!p0 $0x4  }
.LBB2_22:
0x127: {  	v0 =	vld.msk [tilespmem:s4+$0x0], $0x1;
	s2 =	sadd.s32 $0xFFFFFFFF, s2;
	s3 =	sadd.s32 s3, s5  }
0x128: {  	p0 =	sne.s32 s2, $0x0;
	_ =	sdelay $0x3  }
0x129: {  	(v2sf) =	vpush v0, $0x0;
	_ =	sdelay $0xe  }
.Ltmp17:
0x12a: {  	s6 =	spop (v2sf);
	(pc) =	sbr.rel @p0 .LBB2_22-.Ltmp17, $4  }
0x12b: {  	s5 =	simm.s32 $0x0;
	p1 =	sgt.u32 s6, $0x27FF  }
0x12c: {  	s0 =	sadd.s32 $0x1, s0;
	s5 =	simm.s32 @!p1 $0x4;
	s7 =	sshrl.u32 @!p1 s6, $0x3  }
0x12d: {  	s4 =	sadd.s32 $0x1, s4;
	s6 =	sand.u32 @!p1 $0x7, s6;
	s7 =	sadd.s32 @!p1 s1, s7  }
0x12e: {  	[hbm4b:s7+s6] =	stream.linear.scatter @!p1 [tilespmem:s0], [sflag:$0x5], $0x1, $0x38;
	[tilespmem:$0x11A60] =	vst v63  }
.LBB2_23:
0x12f: {  	s0 =	sadd.s32 s3, s5  }
0x130: {  	s3 =	sshrl.u32 s0, $0x2  }
.LBB2_24:
0x131: {  	s0 =	simm.s32 $0x5  }
0x132: {  	_ =	swait.ge [sflag:s0], s3  }
0x133: {  	s1 =	ssub.s32 $0x0, s3;
	[sflag:s0] =	ssyncset.done $0x0  }
0x134: {  	[sflag:s0] =	ssyncadd.s32 s1  }
0x135: {  	[sflag:s0] =	ssyncpa.u1 $0x1  }
0x136: {  	s29 =	simm.s32 $0x1;
	_ =	sfence  }
0x137: {  	s30 =	simm.s32 $0x2;
	[sflag:s29] =	ssyncpa.u1 $0x1  }
0x138: {  	[sflag:s30] =	ssyncpa.u1 $0x1  }
0x139: {  	_ =	strace $0x90000047  }
0x13a: {  	[bflag:$0x2] =	sbarrier.arrive $0xFFFF  }
0x13b: {  	s31 =	rddreg [dreg:$0x1]  }
0x13c: {  	s0 =	sadd.s32 $0x100000, s31  }
0x13d: {  	[sflag:s0] =	ssyncadd.tile.s32 $0x1;
	_ =	shalt  }
.Lfunc_end2:
_tile_overlayer_lowered:
.L_overlay_start_2:
0x13e: {  	(tag) =	ssettag $0x2  }
0x13f: {  	s0 =	rddreg [dreg:$0x0];
	s2 =	stileid.u32  }
0x140: {  	s1 =	rddreg [dreg:$0x1];
	p0 =	sne.s32 s2, $0x0  }
0x141: {  	s3 =	rddreg [dreg:$0x2];
	[bflag:$0x3] =	sbarrier.arrive $0xFFFF;
	s2 =	simm.s32 @!p0 $0x1C01  }
0x142: {  	[timem:s3], [sflag:s2] =	dma.local @!p0 [hbm:s0], s1  }
0x143: {  	s0 =	simm.s32 @!p0 $0x1  }
0x144: {  	_ =	swait.ge @!p0 [sflag:s0], s1  }
0x145: {  	s1 =	ssub.s32 @!p0 $0x0, s1;
	[sflag:s0] =	ssyncset.done @!p0 $0x0  }
0x146: {  	[sflag:s0] =	ssyncadd.s32 @!p0 s1  }
0x147: {  	[bflag:$0x3] =	sbarrier.arrive $0xFFFF  }
0x148: {  	_ =	shalt  }

</sc_bundles>
